<compile_context>
chip_gen: v7x
topology: tpu7x:2x2x1
jax: 0.10.2.dev20260603
libtpu: 0.0.44.dev20260713+nightly
codegen_flags: <defaults>
</compile_context>

<pallas_src>
import functools

import jax
import jax.numpy as jnp
from jax import lax
from jax.experimental import pallas as pl
from jax.experimental.pallas import tpu as pltpu
from jax.experimental.pallas import tpu_sc as plsc

N = 50000
H = 256
HALF = 128
S = 512

BR = 4096
NBLK = 13
NPAD = NBLK * BR

NW = 16
CH = NPAD // NW
NV = CH // 16
SEGP = 528
RPW = S // NW


NSUB = 2
SR = BR // NSUB


def _fused_body(x_ref, w1_ref, b1_ref, w2_ref, b2_ref, b_ref, e_ref, p_ref):
    i = pl.program_id(0)

    @pl.when(i == 0)
    def _():
        p_ref[...] = jnp.zeros_like(p_ref)

    acc = jnp.zeros((S, H), jnp.float32)
    for k in range(NSUB):
        xb = x_ref[pl.ds(k * SR, SR), :]
        h = jnp.tanh(jnp.dot(xb, w1_ref[...],
                             preferred_element_type=jnp.float32) + b1_ref[...])
        sc = lax.dot_general(w2_ref[...], h, (((1,), (1,)), ((), ())),
                             preferred_element_type=jnp.float32) + b2_ref[...]
        e = jnp.exp(sc)
        e_ref[0, :, pl.ds(k * SR, SR)] = e
        b = b_ref[0, :, pl.ds(k * SR, SR)]
        seg = jax.lax.broadcasted_iota(jnp.int32, (S, SR), 0)
        coef = jnp.where(b == seg, e, 0.0).astype(jnp.bfloat16)
        acc = acc + jnp.dot(coef, xb.astype(jnp.bfloat16),
                            preferred_element_type=jnp.float32)
    p_ref[...] += acc


def _tc_fused(x, W1, b1r, W2r, b2r, b3d):
    return pl.pallas_call(
        _fused_body,
        grid=(NBLK,),
        in_specs=[
            pl.BlockSpec((BR, H), lambda i: (i, 0)),
            pl.BlockSpec((H, HALF), lambda i: (0, 0)),
            pl.BlockSpec((1, HALF), lambda i: (0, 0)),
            pl.BlockSpec((1, HALF), lambda i: (0, 0)),
            pl.BlockSpec((1, 1), lambda i: (0, 0)),
            pl.BlockSpec((1, 1, BR), lambda i: (i, 0, 0)),
        ],
        out_specs=[
            pl.BlockSpec((1, 1, BR), lambda i: (i, 0, 0)),
            pl.BlockSpec((S, H), lambda i: (0, 0)),
        ],
        out_shape=[
            jax.ShapeDtypeStruct((NBLK, 1, BR), jnp.float32),
            jax.ShapeDtypeStruct((S, H), jnp.float32),
        ],
    )(x, W1, b1r, W2r, b2r, b3d)


NREM = N - (NW - 1) * CH


def _sc_body(e_hbm, batch_hbm, p_hbm, w_hbm, xp_hbm,
             e_v, b_v, acc_v, acc2_v, st_v, gd_v, p_v, shd):
    c = lax.axis_index("c")
    s = lax.axis_index("s")

    @pl.when(c == 0)
    def _work():
        base = s * CH
        pltpu.sync_copy(e_hbm.at[pl.ds(base, CH)], e_v)
        pltpu.sync_copy(batch_hbm.at[pl.ds(base, CH)], b_v)
        pltpu.sync_copy(p_hbm.at[pl.ds(s * (RPW * H), RPW * H)], p_v)

        lane = lax.iota(jnp.int32, 16)
        zero = jnp.zeros((16,), jnp.float32)
        lane_base = lane * SEGP

        jlo = jnp.min(b_v[pl.ds(0, 16)]) // 16
        jhi = jnp.max(b_v[pl.ds(CH - 16, 16)]) // 16 + 1

        def init_g(j, carry):
            gd_v[pl.ds(pl.multiple_of(j * 16, 16), 16)] = zero
            return carry
        lax.fori_loop(0, SEGP // 16, init_g, 0)

        def init_d(j, carry):
            off = j * 16
            for t in range(NW):
                acc_v[pl.ds(t * SEGP + off, 16)] = zero
                acc2_v[pl.ds(t * SEGP + off, 16)] = zero
            return carry
        lax.fori_loop(jlo, jhi, init_d, 0)

        def p_acc(j, carry):
            for u, arr in ((0, acc_v), (1, acc2_v)):
                off = pl.multiple_of(j * 32 + u * 16, 16)
                ev = e_v[pl.ds(off, 16)]
                bv = b_v[pl.ds(off, 16)]
                idx = lane_base + bv
                cur = plsc.load_gather(arr, [idx])
                plsc.store_scatter(arr, [idx], cur + ev)
            return carry
        lax.fori_loop(0, NV // 2, p_acc, 0)

        def red_loc(j, carry):
            off = j * 16
            acc = acc_v[pl.ds(off, 16)] + acc2_v[pl.ds(off, 16)]
            for t in range(1, NW):
                acc = acc + (acc_v[pl.ds(t * SEGP + off, 16)] +
                             acc2_v[pl.ds(t * SEGP + off, 16)])
            gd_v[pl.ds(off, 16)] = acc
            return carry
        lax.fori_loop(jlo, jhi, red_loc, 0)

        pltpu.sync_copy(gd_v, shd.at[s])
        plsc.subcore_barrier()
        pltpu.sync_copy(shd, st_v)

        def red_glob(j, carry):
            off = j * 16
            acc = st_v[0, pl.ds(off, 16)]
            for t in range(1, NW):
                acc = acc + st_v[t, pl.ds(off, 16)]
            gd_v[pl.ds(off, 16)] = acc
            return carry
        lax.fori_loop(jlo, jhi, red_glob, 0)
        lax.fori_loop(s * (RPW // 16), (s + 1) * (RPW // 16), red_glob, 0)

        def p_w(j, carry):
            for u in range(2):
                off = pl.multiple_of(j * 32 + u * 16, 16)
                ev = e_v[pl.ds(off, 16)]
                bv = b_v[pl.ds(off, 16)]
                gd = plsc.load_gather(gd_v, [bv])
                wv = jnp.where(bv >= S, 0.0, ev / gd)
                e_v[pl.ds(off, 16)] = wv
            return carry
        lax.fori_loop(0, NV // 2, p_w, 0)

        @pl.when(s < NW - 1)
        def _wfull():
            pltpu.sync_copy(e_v, w_hbm.at[pl.ds(base, CH)])

        @pl.when(s == NW - 1)
        def _wtail():
            pltpu.sync_copy(e_v.at[pl.ds(0, NREM)],
                            w_hbm.at[pl.ds(base, NREM)])

        def p_scale(k, carry):
            r = jnp.zeros((16,), jnp.int32) + (s * RPW + k)
            dvec = plsc.load_gather(gd_v, [r])
            scale = jnp.where(dvec > 0.0, 1.0 / dvec, 0.0)
            for t in range(H // 16):
                off = k * H + t * 16
                p_v[pl.ds(off, 16)] = p_v[pl.ds(off, 16)] * scale
            return carry
        lax.fori_loop(0, RPW, p_scale, 0)
        pltpu.sync_copy(p_v, xp_hbm.at[pl.ds(s * (RPW * H), RPW * H)])


@functools.cache
def _get_sc_kernel():
    return functools.partial(
        pl.kernel,
        mesh=plsc.VectorSubcoreMesh(core_axis_name="c", subcore_axis_name="s",
                                    num_cores=1),
        out_type=(jax.ShapeDtypeStruct((N,), jnp.float32),
                  jax.ShapeDtypeStruct((S * H,), jnp.float32)),
        compiler_params=pltpu.CompilerParams(needs_layout_passes=False,
                                             use_tc_tiling_on_sc=False),
        scratch_types=[
            pltpu.VMEM((CH,), jnp.float32),
            pltpu.VMEM((CH,), jnp.int32),
            pltpu.VMEM((NW * SEGP,), jnp.float32),
            pltpu.VMEM((NW * SEGP,), jnp.float32),
            pltpu.VMEM((NW, SEGP), jnp.float32),
            pltpu.VMEM((SEGP,), jnp.float32),
            pltpu.VMEM((RPW * H,), jnp.float32),
            pltpu.VMEM_SHARED((NW, SEGP), jnp.float32),
        ],
    )(_sc_body)


def kernel(x, batch, W1, b1, W2, b2):
    b1r = b1.reshape(1, HALF)
    W2r = W2.reshape(1, HALF)
    b2r = b2.reshape(1, 1)
    batch_p = jnp.concatenate(
        [batch.astype(jnp.int32), jnp.full((NPAD - N,), S, jnp.int32)])
    e, P = _tc_fused(x, W1, b1r, W2r, b2r, batch_p.reshape(NBLK, 1, BR))
    weights, xp = _get_sc_kernel()(e.reshape(NPAD), batch_p,
                                   P.reshape(S * H))
    return xp.reshape(S, H), weights

# --- scband reference (transcript-rebuilt; emitter-appended) ---
"""Pipeline reference for scband-attentive-pooling-28389733826838 (READ-ONLY COPY).

The authoritative reference and input builder live on the scoring server;
editing this copy changes nothing except your own understanding.
"""

import jax, jax.numpy as jnp
import numpy as np

NUM_NODES = 50000
HIDDEN = 256
HALF = HIDDEN // 2
NUM_SEGMENTS = 512


def setup_inputs(seed: int = 0) -> dict:
    key = jax.random.key(seed)
    k1, k2, k3, k4 = jax.random.split(key, 4)
    x = jax.random.normal(k1, (NUM_NODES, HIDDEN), dtype=jnp.float32)
    batch = jnp.sort(jax.random.randint(k2, (NUM_NODES,), 0, NUM_SEGMENTS))
    W1 = jax.random.normal(k3, (HIDDEN, HALF), dtype=jnp.float32) * (1.0 / np.sqrt(HIDDEN))
    b1 = jnp.zeros((HALF,), dtype=jnp.float32)
    W2 = jax.random.normal(k4, (HALF, 1), dtype=jnp.float32) * (1.0 / np.sqrt(HALF))
    b2 = jnp.zeros((1,), dtype=jnp.float32)
    return {"x": x, "batch": batch, "W1": W1, "b1": b1, "W2": W2, "b2": b2}


def reference(x, batch, W1, b1, W2, b2):
    # attention MLP: Linear(h, h//2) -> Tanh -> Linear(h//2, 1)
    h = jnp.tanh(x @ W1 + b1)
    attn_scores = (h @ W2 + b2).squeeze(-1)  # [N]
    # per-graph (segment) softmax, numerically stable
    seg_max = jax.ops.segment_max(attn_scores, batch, num_segments=NUM_SEGMENTS)
    seg_max = jnp.where(jnp.isfinite(seg_max), seg_max, 0.0)  # guard empty segments
    ex = jnp.exp(attn_scores - seg_max[batch])
    denom = jax.ops.segment_sum(ex, batch, num_segments=NUM_SEGMENTS)
    attn_weights = ex / denom[batch]  # [N]
    # global_mean_pool(x*w, batch) * bincount == segment_sum(x*w, batch)
    x_pooled = jax.ops.segment_sum(x * attn_weights[:, None], batch, num_segments=NUM_SEGMENTS)
    return x_pooled, attn_weights

if __name__ == "__main__":
    import jax
    _d = setup_inputs()
    print(jax.jit(kernel)(*tuple(_d.values())))

</pallas_src>

<mosaic_0001>
#map = affine_map<(d0, d1) -> (0)>
module attributes {stable_mosaic.version = 14 : i64} {
  func.func @_sc_body(%arg0: i32, %arg1: i32, %arg2: memref<53248xf32, #tpu.memory_space<hbm>>, %arg3: memref<53248xi32, #tpu.memory_space<hbm>>, %arg4: memref<131072xf32, #tpu.memory_space<hbm>>, %arg5: memref<50000xf32, #tpu.memory_space<hbm>>, %arg6: memref<131072xf32, #tpu.memory_space<hbm>>, %arg7: memref<3328xf32, #tpu.memory_space<vmem>>, %arg8: memref<3328xi32, #tpu.memory_space<vmem>>, %arg9: memref<8448xf32, #tpu.memory_space<vmem>>, %arg10: memref<8448xf32, #tpu.memory_space<vmem>>, %arg11: memref<16x528xf32, #tpu.memory_space<vmem>>, %arg12: memref<528xf32, #tpu.memory_space<vmem>>, %arg13: memref<8192xf32, #tpu.memory_space<vmem>>, %arg14: memref<16x528xf32, #tpu.memory_space<vmem_shared>>) attributes {dimension_semantics = [#tpu.dimension_semantics<core_parallel>, #tpu.dimension_semantics<subcore_parallel>], iteration_bounds = array<i64: 1, 16>, scalar_prefetch = 0 : i64, scratch_operands = 8 : i64, tpu.core_type = #tpu.core_type<sc_vector_subcore>, window_params = [{transform_indices = #map}, {transform_indices = #map}, {transform_indices = #map}, {transform_indices = #map}, {transform_indices = #map}]} {
    %eq3A = arith.constant 0 : i32
    %eq3A_0 = arith.cmpi eq, %arg0, %eq3A : i32
    %convert_element_type3A = arith.extui %eq3A_0 : i1 to i32
    %cond3A = arith.constant 0 : i32
    %cond3A_1 = arith.cmpi ne, %convert_element_type3A, %cond3A : i32
    scf.if %cond3A_1 {
      %mul3A = arith.constant 3328 : i32
      %mul3A_2 = arith.muli %arg1, %mul3A : i32
      "tpu.region"() ({
        %run_scoped3A = tpu.sem_alloc : memref<!tpu.dma_semaphore, #tpu.memory_space<semaphore_mem>>
        %dma_start3A = tpu.memref_slice %arg2[%mul3A_2] : memref<53248xf32, #tpu.memory_space<hbm>> -> memref<3328xf32, #tpu.memory_space<hbm>>
        %dma_start3A_142 = tpu.memref_slice %arg2[%mul3A_2] : memref<53248xf32, #tpu.memory_space<hbm>> -> memref<3328xf32, #tpu.memory_space<hbm>>
        tpu.enqueue_dma source(%dma_start3A_142 : memref<3328xf32, #tpu.memory_space<hbm>>) target(%arg7 : memref<3328xf32, #tpu.memory_space<vmem>>) target_semaphore(%run_scoped3A : memref<!tpu.dma_semaphore, #tpu.memory_space<semaphore_mem>>)
        %dma_wait3A = tpu.memref_slice %arg2[%mul3A_2] : memref<53248xf32, #tpu.memory_space<hbm>> -> memref<3328xf32, #tpu.memory_space<hbm>>
        %dma_wait3A_143 = tpu.memref_slice %arg2[%mul3A_2] : memref<53248xf32, #tpu.memory_space<hbm>> -> memref<3328xf32, #tpu.memory_space<hbm>>
        tpu.wait_dma2 semaphore(%run_scoped3A : memref<!tpu.dma_semaphore, #tpu.memory_space<semaphore_mem>>) src(%dma_wait3A_143 : memref<3328xf32, #tpu.memory_space<hbm>>) dst(%arg7 : memref<3328xf32, #tpu.memory_space<vmem>>)
        tpu.yield
      }) : () -> ()
      "tpu.region"() ({
        %run_scoped3A = tpu.sem_alloc : memref<!tpu.dma_semaphore, #tpu.memory_space<semaphore_mem>>
        %dma_start3A = tpu.memref_slice %arg3[%mul3A_2] : memref<53248xi32, #tpu.memory_space<hbm>> -> memref<3328xi32, #tpu.memory_space<hbm>>
        %dma_start3A_142 = tpu.memref_slice %arg3[%mul3A_2] : memref<53248xi32, #tpu.memory_space<hbm>> -> memref<3328xi32, #tpu.memory_space<hbm>>
        tpu.enqueue_dma source(%dma_start3A_142 : memref<3328xi32, #tpu.memory_space<hbm>>) target(%arg8 : memref<3328xi32, #tpu.memory_space<vmem>>) target_semaphore(%run_scoped3A : memref<!tpu.dma_semaphore, #tpu.memory_space<semaphore_mem>>)
        %dma_wait3A = tpu.memref_slice %arg3[%mul3A_2] : memref<53248xi32, #tpu.memory_space<hbm>> -> memref<3328xi32, #tpu.memory_space<hbm>>
        %dma_wait3A_143 = tpu.memref_slice %arg3[%mul3A_2] : memref<53248xi32, #tpu.memory_space<hbm>> -> memref<3328xi32, #tpu.memory_space<hbm>>
        tpu.wait_dma2 semaphore(%run_scoped3A : memref<!tpu.dma_semaphore, #tpu.memory_space<semaphore_mem>>) src(%dma_wait3A_143 : memref<3328xi32, #tpu.memory_space<hbm>>) dst(%arg8 : memref<3328xi32, #tpu.memory_space<vmem>>)
        tpu.yield
      }) : () -> ()
      %mul3A_3 = arith.constant 8192 : i32
      %mul3A_4 = arith.muli %arg1, %mul3A_3 : i32
      "tpu.region"() ({
        %run_scoped3A = tpu.sem_alloc : memref<!tpu.dma_semaphore, #tpu.memory_space<semaphore_mem>>
        %dma_start3A = tpu.memref_slice %arg4[%mul3A_4] : memref<131072xf32, #tpu.memory_space<hbm>> -> memref<8192xf32, #tpu.memory_space<hbm>>
        %dma_start3A_142 = tpu.memref_slice %arg4[%mul3A_4] : memref<131072xf32, #tpu.memory_space<hbm>> -> memref<8192xf32, #tpu.memory_space<hbm>>
        tpu.enqueue_dma source(%dma_start3A_142 : memref<8192xf32, #tpu.memory_space<hbm>>) target(%arg13 : memref<8192xf32, #tpu.memory_space<vmem>>) target_semaphore(%run_scoped3A : memref<!tpu.dma_semaphore, #tpu.memory_space<semaphore_mem>>)
        %dma_wait3A = tpu.memref_slice %arg4[%mul3A_4] : memref<131072xf32, #tpu.memory_space<hbm>> -> memref<8192xf32, #tpu.memory_space<hbm>>
        %dma_wait3A_143 = tpu.memref_slice %arg4[%mul3A_4] : memref<131072xf32, #tpu.memory_space<hbm>> -> memref<8192xf32, #tpu.memory_space<hbm>>
        tpu.wait_dma2 semaphore(%run_scoped3A : memref<!tpu.dma_semaphore, #tpu.memory_space<semaphore_mem>>) src(%dma_wait3A_143 : memref<8192xf32, #tpu.memory_space<hbm>>) dst(%arg13 : memref<8192xf32, #tpu.memory_space<vmem>>)
        tpu.yield
      }) : () -> ()
      %iota3A = tpu.iota {dimensions = array<i32: 0>} : vector<16xi32>
      %broadcast_in_dim3A = arith.constant 0.000000e+00 : f32
      %broadcast_in_dim3A_5 = vector.broadcast %broadcast_in_dim3A : f32 to vector<16xf32>
      %mul3A_6 = arith.constant 528 : i32
      %mul3A_7 = vector.broadcast %mul3A_6 : i32 to vector<16xi32>
      %mul3A_8 = arith.muli %iota3A, %mul3A_7 : vector<16xi32>
      %get3A = arith.constant 0 : index
      %get3A_9 = tpu.vector_load %arg8[%get3A] {strides = array<i32>} : memref<3328xi32, #tpu.memory_space<vmem>>, vector<16xi32>,
      %reduce_min3A = arith.constant true
      %reduce_min3A_10 = vector.broadcast %reduce_min3A : i1 to vector<16xi1>
      %reduce_min3A_11 = arith.constant -2147483648 : i32
      %reduce_min3A_12 = vector.broadcast %reduce_min3A_11 : i32 to vector<16xi32>
      %reduce_min3A_13 = arith.xori %get3A_9, %reduce_min3A_12 : vector<16xi32>
      %reduce_min3A_14 = tpu.scan <min>, %reduce_min3A_13 masked %reduce_min3A_10 : vector<16xi32>, vector<16xi1> -> vector<16xi32>
      %reduce_min3A_15 = arith.xori %reduce_min3A_14, %reduce_min3A_12 : vector<16xi32>
      %reduce_min3A_16 = vector.extract %reduce_min3A_15[15] : i32 from vector<16xi32>
      %jit3A = arith.constant 16 : i32
      %div3A = arith.divsi %reduce_min3A_16, %jit3A : i32
      %sign3A = arith.constant 0 : i32
      %sign3A_17 = arith.cmpi sgt, %reduce_min3A_16, %sign3A : i32
      %sign3A_18 = arith.extui %sign3A_17 : i1 to i32
      %sign3A_19 = arith.constant 0 : i32
      %sign3A_20 = arith.cmpi slt, %reduce_min3A_16, %sign3A_19 : i32
      %sign3A_21 = arith.extui %sign3A_20 : i1 to i32
      %sign3A_22 = arith.subi %sign3A_18, %sign3A_21 : i32
      %sign3A_23 = arith.constant 0 : i32
      %sign3A_24 = arith.cmpi sgt, %jit3A, %sign3A_23 : i32
      %sign3A_25 = arith.extui %sign3A_24 : i1 to i32
      %sign3A_26 = arith.constant 0 : i32
      %sign3A_27 = arith.cmpi slt, %jit3A, %sign3A_26 : i32
      %sign3A_28 = arith.extui %sign3A_27 : i1 to i32
      %sign3A_29 = arith.subi %sign3A_25, %sign3A_28 : i32
      %ne3A = arith.cmpi ne, %sign3A_22, %sign3A_29 : i32
      %rem3A = arith.remsi %reduce_min3A_16, %jit3A : i32
      %ne3A_30 = arith.constant 0 : i32
      %ne3A_31 = arith.cmpi ne, %rem3A, %ne3A_30 : i32
      %and3A = arith.andi %ne3A, %ne3A_31 : i1
      %sub3A = arith.constant 1 : i32
      %sub3A_32 = arith.subi %div3A, %sub3A : i32
      %select_n3A = arith.select %and3A, %sub3A_32, %div3A : i32
      %get3A_33 = arith.constant 3312 : index
      %get3A_34 = tpu.vector_load %arg8[%get3A_33] {strides = array<i32>} : memref<3328xi32, #tpu.memory_space<vmem>>, vector<16xi32>,
      %reduce_max3A = arith.constant true
      %reduce_max3A_35 = vector.broadcast %reduce_max3A : i1 to vector<16xi1>
      %reduce_max3A_36 = arith.constant -2147483648 : i32
      %reduce_max3A_37 = vector.broadcast %reduce_max3A_36 : i32 to vector<16xi32>
      %reduce_max3A_38 = arith.xori %get3A_34, %reduce_max3A_37 : vector<16xi32>
      %reduce_max3A_39 = tpu.scan <max>, %reduce_max3A_38 masked %reduce_max3A_35 : vector<16xi32>, vector<16xi1> -> vector<16xi32>
      %reduce_max3A_40 = arith.xori %reduce_max3A_39, %reduce_max3A_37 : vector<16xi32>
      %reduce_max3A_41 = vector.extract %reduce_max3A_40[15] : i32 from vector<16xi32>
      %jit3A_42 = arith.constant 16 : i32
      %div3A_43 = arith.divsi %reduce_max3A_41, %jit3A_42 : i32
      %sign3A_44 = arith.constant 0 : i32
      %sign3A_45 = arith.cmpi sgt, %reduce_max3A_41, %sign3A_44 : i32
      %sign3A_46 = arith.extui %sign3A_45 : i1 to i32
      %sign3A_47 = arith.constant 0 : i32
      %sign3A_48 = arith.cmpi slt, %reduce_max3A_41, %sign3A_47 : i32
      %sign3A_49 = arith.extui %sign3A_48 : i1 to i32
      %sign3A_50 = arith.subi %sign3A_46, %sign3A_49 : i32
      %sign3A_51 = arith.constant 0 : i32
      %sign3A_52 = arith.cmpi sgt, %jit3A_42, %sign3A_51 : i32
      %sign3A_53 = arith.extui %sign3A_52 : i1 to i32
      %sign3A_54 = arith.constant 0 : i32
      %sign3A_55 = arith.cmpi slt, %jit3A_42, %sign3A_54 : i32
      %sign3A_56 = arith.extui %sign3A_55 : i1 to i32
      %sign3A_57 = arith.subi %sign3A_53, %sign3A_56 : i32
      %ne3A_58 = arith.cmpi ne, %sign3A_50, %sign3A_57 : i32
      %rem3A_59 = arith.remsi %reduce_max3A_41, %jit3A_42 : i32
      %ne3A_60 = arith.constant 0 : i32
      %ne3A_61 = arith.cmpi ne, %rem3A_59, %ne3A_60 : i32
      %and3A_62 = arith.andi %ne3A_58, %ne3A_61 : i1
      %sub3A_63 = arith.constant 1 : i32
      %sub3A_64 = arith.subi %div3A_43, %sub3A_63 : i32
      %select_n3A_65 = arith.select %and3A_62, %sub3A_64, %div3A_43 : i32
      %add3A = arith.constant 1 : i32
      %add3A_66 = arith.addi %select_n3A_65, %add3A : i32
      %scan3A = arith.constant 0 : i32
      %scan3A_67 = arith.constant 0 : i32
      %scan3A_68 = arith.constant 33 : i32
      %scan3A_69 = arith.addi %scan3A_67, %scan3A_68 : i32
      %scan3A_70 = arith.constant 1 : i32
      scf.for %scan3A_142 = %scan3A_67 to %scan3A_69 step %scan3A_70  : i32 {
        %mul3A_143 = arith.constant 16 : i32
        %mul3A_144 = arith.muli %scan3A_142, %mul3A_143 : i32
        %multiple_of3A = tpu.assume_multiple %mul3A_144, 16 : i32
        %swap3A = arith.index_cast %multiple_of3A : i32 to index
        %swap3A_145 = tpu.vector_load %arg12[%swap3A] {strides = array<i32>} : memref<528xf32, #tpu.memory_space<vmem>>, vector<16xf32>,
        tpu.vector_store %arg12[%swap3A], %broadcast_in_dim3A_5 {strides = array<i32>} : memref<528xf32, #tpu.memory_space<vmem>>, vector<16xf32>,
      }
      %scan3A_71 = arith.constant 33 : i32
      %while3A = arith.constant 0 : i32
      %while3A_72 = arith.subi %add3A_66, %select_n3A : i32
      %while3A_73 = arith.addi %select_n3A, %while3A_72 : i32
      %while3A_74 = arith.constant 1 : i32
      %while3A_75 = arith.divsi %while3A_72, %while3A_74 : i32
      %while3A_76 = arith.muli %while3A_75, %while3A_74 : i32
      %while3A_77 = arith.addi %select_n3A, %while3A_76 : i32
      %while3A_78 = arith.constant 1 : i32
      scf.for %while3A_142 = %select_n3A to %while3A_77 step %while3A_78  : i32 {
        %mul3A_143 = arith.constant 16 : i32
        %mul3A_144 = arith.muli %while3A_142, %mul3A_143 : i32
        %add3A_145 = arith.constant 0 : i32
        %add3A_146 = arith.addi %add3A_145, %mul3A_144 : i32
        %swap3A = arith.index_cast %add3A_146 : i32 to index
        %swap3A_147 = tpu.vector_load %arg9[%swap3A] {strides = array<i32>} : memref<8448xf32, #tpu.memory_space<vmem>>, vector<16xf32>,
        tpu.vector_store %arg9[%swap3A], %broadcast_in_dim3A_5 {strides = array<i32>} : memref<8448xf32, #tpu.memory_space<vmem>>, vector<16xf32>,
        %add3A_148 = arith.constant 0 : i32
        %add3A_149 = arith.addi %add3A_148, %mul3A_144 : i32
        %swap3A_150 = arith.index_cast %add3A_149 : i32 to index
        %swap3A_151 = tpu.vector_load %arg10[%swap3A_150] {strides = array<i32>} : memref<8448xf32, #tpu.memory_space<vmem>>, vector<16xf32>,
        tpu.vector_store %arg10[%swap3A_150], %broadcast_in_dim3A_5 {strides = array<i32>} : memref<8448xf32, #tpu.memory_space<vmem>>, vector<16xf32>,
        %add3A_152 = arith.constant 528 : i32
        %add3A_153 = arith.addi %add3A_152, %mul3A_144 : i32
        %swap3A_154 = arith.index_cast %add3A_153 : i32 to index
        %swap3A_155 = tpu.vector_load %arg9[%swap3A_154] {strides = array<i32>} : memref<8448xf32, #tpu.memory_space<vmem>>, vector<16xf32>,
        tpu.vector_store %arg9[%swap3A_154], %broadcast_in_dim3A_5 {strides = array<i32>} : memref<8448xf32, #tpu.memory_space<vmem>>, vector<16xf32>,
        %add3A_156 = arith.constant 528 : i32
        %add3A_157 = arith.addi %add3A_156, %mul3A_144 : i32
        %swap3A_158 = arith.index_cast %add3A_157 : i32 to index
        %swap3A_159 = tpu.vector_load %arg10[%swap3A_158] {strides = array<i32>} : memref<8448xf32, #tpu.memory_space<vmem>>, vector<16xf32>,
        tpu.vector_store %arg10[%swap3A_158], %broadcast_in_dim3A_5 {strides = array<i32>} : memref<8448xf32, #tpu.memory_space<vmem>>, vector<16xf32>,
        %add3A_160 = arith.constant 1056 : i32
        %add3A_161 = arith.addi %add3A_160, %mul3A_144 : i32
        %swap3A_162 = arith.index_cast %add3A_161 : i32 to index
        %swap3A_163 = tpu.vector_load %arg9[%swap3A_162] {strides = array<i32>} : memref<8448xf32, #tpu.memory_space<vmem>>, vector<16xf32>,
        tpu.vector_store %arg9[%swap3A_162], %broadcast_in_dim3A_5 {strides = array<i32>} : memref<8448xf32, #tpu.memory_space<vmem>>, vector<16xf32>,
        %add3A_164 = arith.constant 1056 : i32
        %add3A_165 = arith.addi %add3A_164, %mul3A_144 : i32
        %swap3A_166 = arith.index_cast %add3A_165 : i32 to index
        %swap3A_167 = tpu.vector_load %arg10[%swap3A_166] {strides = array<i32>} : memref<8448xf32, #tpu.memory_space<vmem>>, vector<16xf32>,
        tpu.vector_store %arg10[%swap3A_166], %broadcast_in_dim3A_5 {strides = array<i32>} : memref<8448xf32, #tpu.memory_space<vmem>>, vector<16xf32>,
        %add3A_168 = arith.constant 1584 : i32
        %add3A_169 = arith.addi %add3A_168, %mul3A_144 : i32
        %swap3A_170 = arith.index_cast %add3A_169 : i32 to index
        %swap3A_171 = tpu.vector_load %arg9[%swap3A_170] {strides = array<i32>} : memref<8448xf32, #tpu.memory_space<vmem>>, vector<16xf32>,
        tpu.vector_store %arg9[%swap3A_170], %broadcast_in_dim3A_5 {strides = array<i32>} : memref<8448xf32, #tpu.memory_space<vmem>>, vector<16xf32>,
        %add3A_172 = arith.constant 1584 : i32
        %add3A_173 = arith.addi %add3A_172, %mul3A_144 : i32
        %swap3A_174 = arith.index_cast %add3A_173 : i32 to index
        %swap3A_175 = tpu.vector_load %arg10[%swap3A_174] {strides = array<i32>} : memref<8448xf32, #tpu.memory_space<vmem>>, vector<16xf32>,
        tpu.vector_store %arg10[%swap3A_174], %broadcast_in_dim3A_5 {strides = array<i32>} : memref<8448xf32, #tpu.memory_space<vmem>>, vector<16xf32>,
        %add3A_176 = arith.constant 2112 : i32
        %add3A_177 = arith.addi %add3A_176, %mul3A_144 : i32
        %swap3A_178 = arith.index_cast %add3A_177 : i32 to index
        %swap3A_179 = tpu.vector_load %arg9[%swap3A_178] {strides = array<i32>} : memref<8448xf32, #tpu.memory_space<vmem>>, vector<16xf32>,
        tpu.vector_store %arg9[%swap3A_178], %broadcast_in_dim3A_5 {strides = array<i32>} : memref<8448xf32, #tpu.memory_space<vmem>>, vector<16xf32>,
        %add3A_180 = arith.constant 2112 : i32
        %add3A_181 = arith.addi %add3A_180, %mul3A_144 : i32
        %swap3A_182 = arith.index_cast %add3A_181 : i32 to index
        %swap3A_183 = tpu.vector_load %arg10[%swap3A_182] {strides = array<i32>} : memref<8448xf32, #tpu.memory_space<vmem>>, vector<16xf32>,
        tpu.vector_store %arg10[%swap3A_182], %broadcast_in_dim3A_5 {strides = array<i32>} : memref<8448xf32, #tpu.memory_space<vmem>>, vector<16xf32>,
        %add3A_184 = arith.constant 2640 : i32
        %add3A_185 = arith.addi %add3A_184, %mul3A_144 : i32
        %swap3A_186 = arith.index_cast %add3A_185 : i32 to index
        %swap3A_187 = tpu.vector_load %arg9[%swap3A_186] {strides = array<i32>} : memref<8448xf32, #tpu.memory_space<vmem>>, vector<16xf32>,
        tpu.vector_store %arg9[%swap3A_186], %broadcast_in_dim3A_5 {strides = array<i32>} : memref<8448xf32, #tpu.memory_space<vmem>>, vector<16xf32>,
        %add3A_188 = arith.constant 2640 : i32
        %add3A_189 = arith.addi %add3A_188, %mul3A_144 : i32
        %swap3A_190 = arith.index_cast %add3A_189 : i32 to index
        %swap3A_191 = tpu.vector_load %arg10[%swap3A_190] {strides = array<i32>} : memref<8448xf32, #tpu.memory_space<vmem>>, vector<16xf32>,
        tpu.vector_store %arg10[%swap3A_190], %broadcast_in_dim3A_5 {strides = array<i32>} : memref<8448xf32, #tpu.memory_space<vmem>>, vector<16xf32>,
        %add3A_192 = arith.constant 3168 : i32
        %add3A_193 = arith.addi %add3A_192, %mul3A_144 : i32
        %swap3A_194 = arith.index_cast %add3A_193 : i32 to index
        %swap3A_195 = tpu.vector_load %arg9[%swap3A_194] {strides = array<i32>} : memref<8448xf32, #tpu.memory_space<vmem>>, vector<16xf32>,
        tpu.vector_store %arg9[%swap3A_194], %broadcast_in_dim3A_5 {strides = array<i32>} : memref<8448xf32, #tpu.memory_space<vmem>>, vector<16xf32>,
        %add3A_196 = arith.constant 3168 : i32
        %add3A_197 = arith.addi %add3A_196, %mul3A_144 : i32
        %swap3A_198 = arith.index_cast %add3A_197 : i32 to index
        %swap3A_199 = tpu.vector_load %arg10[%swap3A_198] {strides = array<i32>} : memref<8448xf32, #tpu.memory_space<vmem>>, vector<16xf32>,
        tpu.vector_store %arg10[%swap3A_198], %broadcast_in_dim3A_5 {strides = array<i32>} : memref<8448xf32, #tpu.memory_space<vmem>>, vector<16xf32>,
        %add3A_200 = arith.constant 3696 : i32
        %add3A_201 = arith.addi %add3A_200, %mul3A_144 : i32
        %swap3A_202 = arith.index_cast %add3A_201 : i32 to index
        %swap3A_203 = tpu.vector_load %arg9[%swap3A_202] {strides = array<i32>} : memref<8448xf32, #tpu.memory_space<vmem>>, vector<16xf32>,
        tpu.vector_store %arg9[%swap3A_202], %broadcast_in_dim3A_5 {strides = array<i32>} : memref<8448xf32, #tpu.memory_space<vmem>>, vector<16xf32>,
        %add3A_204 = arith.constant 3696 : i32
        %add3A_205 = arith.addi %add3A_204, %mul3A_144 : i32
        %swap3A_206 = arith.index_cast %add3A_205 : i32 to index
        %swap3A_207 = tpu.vector_load %arg10[%swap3A_206] {strides = array<i32>} : memref<8448xf32, #tpu.memory_space<vmem>>, vector<16xf32>,
        tpu.vector_store %arg10[%swap3A_206], %broadcast_in_dim3A_5 {strides = array<i32>} : memref<8448xf32, #tpu.memory_space<vmem>>, vector<16xf32>,
        %add3A_208 = arith.constant 4224 : i32
        %add3A_209 = arith.addi %add3A_208, %mul3A_144 : i32
        %swap3A_210 = arith.index_cast %add3A_209 : i32 to index
        %swap3A_211 = tpu.vector_load %arg9[%swap3A_210] {strides = array<i32>} : memref<8448xf32, #tpu.memory_space<vmem>>, vector<16xf32>,
        tpu.vector_store %arg9[%swap3A_210], %broadcast_in_dim3A_5 {strides = array<i32>} : memref<8448xf32, #tpu.memory_space<vmem>>, vector<16xf32>,
        %add3A_212 = arith.constant 4224 : i32
        %add3A_213 = arith.addi %add3A_212, %mul3A_144 : i32
        %swap3A_214 = arith.index_cast %add3A_213 : i32 to index
        %swap3A_215 = tpu.vector_load %arg10[%swap3A_214] {strides = array<i32>} : memref<8448xf32, #tpu.memory_space<vmem>>, vector<16xf32>,
        tpu.vector_store %arg10[%swap3A_214], %broadcast_in_dim3A_5 {strides = array<i32>} : memref<8448xf32, #tpu.memory_space<vmem>>, vector<16xf32>,
        %add3A_216 = arith.constant 4752 : i32
        %add3A_217 = arith.addi %add3A_216, %mul3A_144 : i32
        %swap3A_218 = arith.index_cast %add3A_217 : i32 to index
        %swap3A_219 = tpu.vector_load %arg9[%swap3A_218] {strides = array<i32>} : memref<8448xf32, #tpu.memory_space<vmem>>, vector<16xf32>,
        tpu.vector_store %arg9[%swap3A_218], %broadcast_in_dim3A_5 {strides = array<i32>} : memref<8448xf32, #tpu.memory_space<vmem>>, vector<16xf32>,
        %add3A_220 = arith.constant 4752 : i32
        %add3A_221 = arith.addi %add3A_220, %mul3A_144 : i32
        %swap3A_222 = arith.index_cast %add3A_221 : i32 to index
        %swap3A_223 = tpu.vector_load %arg10[%swap3A_222] {strides = array<i32>} : memref<8448xf32, #tpu.memory_space<vmem>>, vector<16xf32>,
        tpu.vector_store %arg10[%swap3A_222], %broadcast_in_dim3A_5 {strides = array<i32>} : memref<8448xf32, #tpu.memory_space<vmem>>, vector<16xf32>,
        %add3A_224 = arith.constant 5280 : i32
        %add3A_225 = arith.addi %add3A_224, %mul3A_144 : i32
        %swap3A_226 = arith.index_cast %add3A_225 : i32 to index
        %swap3A_227 = tpu.vector_load %arg9[%swap3A_226] {strides = array<i32>} : memref<8448xf32, #tpu.memory_space<vmem>>, vector<16xf32>,
        tpu.vector_store %arg9[%swap3A_226], %broadcast_in_dim3A_5 {strides = array<i32>} : memref<8448xf32, #tpu.memory_space<vmem>>, vector<16xf32>,
        %add3A_228 = arith.constant 5280 : i32
        %add3A_229 = arith.addi %add3A_228, %mul3A_144 : i32
        %swap3A_230 = arith.index_cast %add3A_229 : i32 to index
        %swap3A_231 = tpu.vector_load %arg10[%swap3A_230] {strides = array<i32>} : memref<8448xf32, #tpu.memory_space<vmem>>, vector<16xf32>,
        tpu.vector_store %arg10[%swap3A_230], %broadcast_in_dim3A_5 {strides = array<i32>} : memref<8448xf32, #tpu.memory_space<vmem>>, vector<16xf32>,
        %add3A_232 = arith.constant 5808 : i32
        %add3A_233 = arith.addi %add3A_232, %mul3A_144 : i32
        %swap3A_234 = arith.index_cast %add3A_233 : i32 to index
        %swap3A_235 = tpu.vector_load %arg9[%swap3A_234] {strides = array<i32>} : memref<8448xf32, #tpu.memory_space<vmem>>, vector<16xf32>,
        tpu.vector_store %arg9[%swap3A_234], %broadcast_in_dim3A_5 {strides = array<i32>} : memref<8448xf32, #tpu.memory_space<vmem>>, vector<16xf32>,
        %add3A_236 = arith.constant 5808 : i32
        %add3A_237 = arith.addi %add3A_236, %mul3A_144 : i32
        %swap3A_238 = arith.index_cast %add3A_237 : i32 to index
        %swap3A_239 = tpu.vector_load %arg10[%swap3A_238] {strides = array<i32>} : memref<8448xf32, #tpu.memory_space<vmem>>, vector<16xf32>,
        tpu.vector_store %arg10[%swap3A_238], %broadcast_in_dim3A_5 {strides = array<i32>} : memref<8448xf32, #tpu.memory_space<vmem>>, vector<16xf32>,
        %add3A_240 = arith.constant 6336 : i32
        %add3A_241 = arith.addi %add3A_240, %mul3A_144 : i32
        %swap3A_242 = arith.index_cast %add3A_241 : i32 to index
        %swap3A_243 = tpu.vector_load %arg9[%swap3A_242] {strides = array<i32>} : memref<8448xf32, #tpu.memory_space<vmem>>, vector<16xf32>,
        tpu.vector_store %arg9[%swap3A_242], %broadcast_in_dim3A_5 {strides = array<i32>} : memref<8448xf32, #tpu.memory_space<vmem>>, vector<16xf32>,
        %add3A_244 = arith.constant 6336 : i32
        %add3A_245 = arith.addi %add3A_244, %mul3A_144 : i32
        %swap3A_246 = arith.index_cast %add3A_245 : i32 to index
        %swap3A_247 = tpu.vector_load %arg10[%swap3A_246] {strides = array<i32>} : memref<8448xf32, #tpu.memory_space<vmem>>, vector<16xf32>,
        tpu.vector_store %arg10[%swap3A_246], %broadcast_in_dim3A_5 {strides = array<i32>} : memref<8448xf32, #tpu.memory_space<vmem>>, vector<16xf32>,
        %add3A_248 = arith.constant 6864 : i32
        %add3A_249 = arith.addi %add3A_248, %mul3A_144 : i32
        %swap3A_250 = arith.index_cast %add3A_249 : i32 to index
        %swap3A_251 = tpu.vector_load %arg9[%swap3A_250] {strides = array<i32>} : memref<8448xf32, #tpu.memory_space<vmem>>, vector<16xf32>,
        tpu.vector_store %arg9[%swap3A_250], %broadcast_in_dim3A_5 {strides = array<i32>} : memref<8448xf32, #tpu.memory_space<vmem>>, vector<16xf32>,
        %add3A_252 = arith.constant 6864 : i32
        %add3A_253 = arith.addi %add3A_252, %mul3A_144 : i32
        %swap3A_254 = arith.index_cast %add3A_253 : i32 to index
        %swap3A_255 = tpu.vector_load %arg10[%swap3A_254] {strides = array<i32>} : memref<8448xf32, #tpu.memory_space<vmem>>, vector<16xf32>,
        tpu.vector_store %arg10[%swap3A_254], %broadcast_in_dim3A_5 {strides = array<i32>} : memref<8448xf32, #tpu.memory_space<vmem>>, vector<16xf32>,
        %add3A_256 = arith.constant 7392 : i32
        %add3A_257 = arith.addi %add3A_256, %mul3A_144 : i32
        %swap3A_258 = arith.index_cast %add3A_257 : i32 to index
        %swap3A_259 = tpu.vector_load %arg9[%swap3A_258] {strides = array<i32>} : memref<8448xf32, #tpu.memory_space<vmem>>, vector<16xf32>,
        tpu.vector_store %arg9[%swap3A_258], %broadcast_in_dim3A_5 {strides = array<i32>} : memref<8448xf32, #tpu.memory_space<vmem>>, vector<16xf32>,
        %add3A_260 = arith.constant 7392 : i32
        %add3A_261 = arith.addi %add3A_260, %mul3A_144 : i32
        %swap3A_262 = arith.index_cast %add3A_261 : i32 to index
        %swap3A_263 = tpu.vector_load %arg10[%swap3A_262] {strides = array<i32>} : memref<8448xf32, #tpu.memory_space<vmem>>, vector<16xf32>,
        tpu.vector_store %arg10[%swap3A_262], %broadcast_in_dim3A_5 {strides = array<i32>} : memref<8448xf32, #tpu.memory_space<vmem>>, vector<16xf32>,
        %add3A_264 = arith.constant 7920 : i32
        %add3A_265 = arith.addi %add3A_264, %mul3A_144 : i32
        %swap3A_266 = arith.index_cast %add3A_265 : i32 to index
        %swap3A_267 = tpu.vector_load %arg9[%swap3A_266] {strides = array<i32>} : memref<8448xf32, #tpu.memory_space<vmem>>, vector<16xf32>,
        tpu.vector_store %arg9[%swap3A_266], %broadcast_in_dim3A_5 {strides = array<i32>} : memref<8448xf32, #tpu.memory_space<vmem>>, vector<16xf32>,
        %add3A_268 = arith.constant 7920 : i32
        %add3A_269 = arith.addi %add3A_268, %mul3A_144 : i32
        %swap3A_270 = arith.index_cast %add3A_269 : i32 to index
        %swap3A_271 = tpu.vector_load %arg10[%swap3A_270] {strides = array<i32>} : memref<8448xf32, #tpu.memory_space<vmem>>, vector<16xf32>,
        tpu.vector_store %arg10[%swap3A_270], %broadcast_in_dim3A_5 {strides = array<i32>} : memref<8448xf32, #tpu.memory_space<vmem>>, vector<16xf32>,
      }
      %while3A_79 = arith.constant 1 : i32
      scf.for %while3A_142 = %while3A_77 to %while3A_73 step %while3A_79  : i32 {
        %mul3A_143 = arith.constant 16 : i32
        %mul3A_144 = arith.muli %while3A_142, %mul3A_143 : i32
        %add3A_145 = arith.constant 0 : i32
        %add3A_146 = arith.addi %add3A_145, %mul3A_144 : i32
        %swap3A = arith.index_cast %add3A_146 : i32 to index
        %swap3A_147 = tpu.vector_load %arg9[%swap3A] {strides = array<i32>} : memref<8448xf32, #tpu.memory_space<vmem>>, vector<16xf32>,
        tpu.vector_store %arg9[%swap3A], %broadcast_in_dim3A_5 {strides = array<i32>} : memref<8448xf32, #tpu.memory_space<vmem>>, vector<16xf32>,
        %add3A_148 = arith.constant 0 : i32
        %add3A_149 = arith.addi %add3A_148, %mul3A_144 : i32
        %swap3A_150 = arith.index_cast %add3A_149 : i32 to index
        %swap3A_151 = tpu.vector_load %arg10[%swap3A_150] {strides = array<i32>} : memref<8448xf32, #tpu.memory_space<vmem>>, vector<16xf32>,
        tpu.vector_store %arg10[%swap3A_150], %broadcast_in_dim3A_5 {strides = array<i32>} : memref<8448xf32, #tpu.memory_space<vmem>>, vector<16xf32>,
        %add3A_152 = arith.constant 528 : i32
        %add3A_153 = arith.addi %add3A_152, %mul3A_144 : i32
        %swap3A_154 = arith.index_cast %add3A_153 : i32 to index
        %swap3A_155 = tpu.vector_load %arg9[%swap3A_154] {strides = array<i32>} : memref<8448xf32, #tpu.memory_space<vmem>>, vector<16xf32>,
        tpu.vector_store %arg9[%swap3A_154], %broadcast_in_dim3A_5 {strides = array<i32>} : memref<8448xf32, #tpu.memory_space<vmem>>, vector<16xf32>,
        %add3A_156 = arith.constant 528 : i32
        %add3A_157 = arith.addi %add3A_156, %mul3A_144 : i32
        %swap3A_158 = arith.index_cast %add3A_157 : i32 to index
        %swap3A_159 = tpu.vector_load %arg10[%swap3A_158] {strides = array<i32>} : memref<8448xf32, #tpu.memory_space<vmem>>, vector<16xf32>,
        tpu.vector_store %arg10[%swap3A_158], %broadcast_in_dim3A_5 {strides = array<i32>} : memref<8448xf32, #tpu.memory_space<vmem>>, vector<16xf32>,
        %add3A_160 = arith.constant 1056 : i32
        %add3A_161 = arith.addi %add3A_160, %mul3A_144 : i32
        %swap3A_162 = arith.index_cast %add3A_161 : i32 to index
        %swap3A_163 = tpu.vector_load %arg9[%swap3A_162] {strides = array<i32>} : memref<8448xf32, #tpu.memory_space<vmem>>, vector<16xf32>,
        tpu.vector_store %arg9[%swap3A_162], %broadcast_in_dim3A_5 {strides = array<i32>} : memref<8448xf32, #tpu.memory_space<vmem>>, vector<16xf32>,
        %add3A_164 = arith.constant 1056 : i32
        %add3A_165 = arith.addi %add3A_164, %mul3A_144 : i32
        %swap3A_166 = arith.index_cast %add3A_165 : i32 to index
        %swap3A_167 = tpu.vector_load %arg10[%swap3A_166] {strides = array<i32>} : memref<8448xf32, #tpu.memory_space<vmem>>, vector<16xf32>,
        tpu.vector_store %arg10[%swap3A_166], %broadcast_in_dim3A_5 {strides = array<i32>} : memref<8448xf32, #tpu.memory_space<vmem>>, vector<16xf32>,
        %add3A_168 = arith.constant 1584 : i32
        %add3A_169 = arith.addi %add3A_168, %mul3A_144 : i32
        %swap3A_170 = arith.index_cast %add3A_169 : i32 to index
        %swap3A_171 = tpu.vector_load %arg9[%swap3A_170] {strides = array<i32>} : memref<8448xf32, #tpu.memory_space<vmem>>, vector<16xf32>,
        tpu.vector_store %arg9[%swap3A_170], %broadcast_in_dim3A_5 {strides = array<i32>} : memref<8448xf32, #tpu.memory_space<vmem>>, vector<16xf32>,
        %add3A_172 = arith.constant 1584 : i32
        %add3A_173 = arith.addi %add3A_172, %mul3A_144 : i32
        %swap3A_174 = arith.index_cast %add3A_173 : i32 to index
        %swap3A_175 = tpu.vector_load %arg10[%swap3A_174] {strides = array<i32>} : memref<8448xf32, #tpu.memory_space<vmem>>, vector<16xf32>,
        tpu.vector_store %arg10[%swap3A_174], %broadcast_in_dim3A_5 {strides = array<i32>} : memref<8448xf32, #tpu.memory_space<vmem>>, vector<16xf32>,
        %add3A_176 = arith.constant 2112 : i32
        %add3A_177 = arith.addi %add3A_176, %mul3A_144 : i32
        %swap3A_178 = arith.index_cast %add3A_177 : i32 to index
        %swap3A_179 = tpu.vector_load %arg9[%swap3A_178] {strides = array<i32>} : memref<8448xf32, #tpu.memory_space<vmem>>, vector<16xf32>,
        tpu.vector_store %arg9[%swap3A_178], %broadcast_in_dim3A_5 {strides = array<i32>} : memref<8448xf32, #tpu.memory_space<vmem>>, vector<16xf32>,
        %add3A_180 = arith.constant 2112 : i32
        %add3A_181 = arith.addi %add3A_180, %mul3A_144 : i32
        %swap3A_182 = arith.index_cast %add3A_181 : i32 to index
        %swap3A_183 = tpu.vector_load %arg10[%swap3A_182] {strides = array<i32>} : memref<8448xf32, #tpu.memory_space<vmem>>, vector<16xf32>,
        tpu.vector_store %arg10[%swap3A_182], %broadcast_in_dim3A_5 {strides = array<i32>} : memref<8448xf32, #tpu.memory_space<vmem>>, vector<16xf32>,
        %add3A_184 = arith.constant 2640 : i32
        %add3A_185 = arith.addi %add3A_184, %mul3A_144 : i32
        %swap3A_186 = arith.index_cast %add3A_185 : i32 to index
        %swap3A_187 = tpu.vector_load %arg9[%swap3A_186] {strides = array<i32>} : memref<8448xf32, #tpu.memory_space<vmem>>, vector<16xf32>,
        tpu.vector_store %arg9[%swap3A_186], %broadcast_in_dim3A_5 {strides = array<i32>} : memref<8448xf32, #tpu.memory_space<vmem>>, vector<16xf32>,
        %add3A_188 = arith.constant 2640 : i32
        %add3A_189 = arith.addi %add3A_188, %mul3A_144 : i32
        %swap3A_190 = arith.index_cast %add3A_189 : i32 to index
        %swap3A_191 = tpu.vector_load %arg10[%swap3A_190] {strides = array<i32>} : memref<8448xf32, #tpu.memory_space<vmem>>, vector<16xf32>,
        tpu.vector_store %arg10[%swap3A_190], %broadcast_in_dim3A_5 {strides = array<i32>} : memref<8448xf32, #tpu.memory_space<vmem>>, vector<16xf32>,
        %add3A_192 = arith.constant 3168 : i32
        %add3A_193 = arith.addi %add3A_192, %mul3A_144 : i32
        %swap3A_194 = arith.index_cast %add3A_193 : i32 to index
        %swap3A_195 = tpu.vector_load %arg9[%swap3A_194] {strides = array<i32>} : memref<8448xf32, #tpu.memory_space<vmem>>, vector<16xf32>,
        tpu.vector_store %arg9[%swap3A_194], %broadcast_in_dim3A_5 {strides = array<i32>} : memref<8448xf32, #tpu.memory_space<vmem>>, vector<16xf32>,
        %add3A_196 = arith.constant 3168 : i32
        %add3A_197 = arith.addi %add3A_196, %mul3A_144 : i32
        %swap3A_198 = arith.index_cast %add3A_197 : i32 to index
        %swap3A_199 = tpu.vector_load %arg10[%swap3A_198] {strides = array<i32>} : memref<8448xf32, #tpu.memory_space<vmem>>, vector<16xf32>,
        tpu.vector_store %arg10[%swap3A_198], %broadcast_in_dim3A_5 {strides = array<i32>} : memref<8448xf32, #tpu.memory_space<vmem>>, vector<16xf32>,
        %add3A_200 = arith.constant 3696 : i32
        %add3A_201 = arith.addi %add3A_200, %mul3A_144 : i32
        %swap3A_202 = arith.index_cast %add3A_201 : i32 to index
        %swap3A_203 = tpu.vector_load %arg9[%swap3A_202] {strides = array<i32>} : memref<8448xf32, #tpu.memory_space<vmem>>, vector<16xf32>,
        tpu.vector_store %arg9[%swap3A_202], %broadcast_in_dim3A_5 {strides = array<i32>} : memref<8448xf32, #tpu.memory_space<vmem>>, vector<16xf32>,
        %add3A_204 = arith.constant 3696 : i32
        %add3A_205 = arith.addi %add3A_204, %mul3A_144 : i32
        %swap3A_206 = arith.index_cast %add3A_205 : i32 to index
        %swap3A_207 = tpu.vector_load %arg10[%swap3A_206] {strides = array<i32>} : memref<8448xf32, #tpu.memory_space<vmem>>, vector<16xf32>,
        tpu.vector_store %arg10[%swap3A_206], %broadcast_in_dim3A_5 {strides = array<i32>} : memref<8448xf32, #tpu.memory_space<vmem>>, vector<16xf32>,
        %add3A_208 = arith.constant 4224 : i32
        %add3A_209 = arith.addi %add3A_208, %mul3A_144 : i32
        %swap3A_210 = arith.index_cast %add3A_209 : i32 to index
        %swap3A_211 = tpu.vector_load %arg9[%swap3A_210] {strides = array<i32>} : memref<8448xf32, #tpu.memory_space<vmem>>, vector<16xf32>,
        tpu.vector_store %arg9[%swap3A_210], %broadcast_in_dim3A_5 {strides = array<i32>} : memref<8448xf32, #tpu.memory_space<vmem>>, vector<16xf32>,
        %add3A_212 = arith.constant 4224 : i32
        %add3A_213 = arith.addi %add3A_212, %mul3A_144 : i32
        %swap3A_214 = arith.index_cast %add3A_213 : i32 to index
        %swap3A_215 = tpu.vector_load %arg10[%swap3A_214] {strides = array<i32>} : memref<8448xf32, #tpu.memory_space<vmem>>, vector<16xf32>,
        tpu.vector_store %arg10[%swap3A_214], %broadcast_in_dim3A_5 {strides = array<i32>} : memref<8448xf32, #tpu.memory_space<vmem>>, vector<16xf32>,
        %add3A_216 = arith.constant 4752 : i32
        %add3A_217 = arith.addi %add3A_216, %mul3A_144 : i32
        %swap3A_218 = arith.index_cast %add3A_217 : i32 to index
        %swap3A_219 = tpu.vector_load %arg9[%swap3A_218] {strides = array<i32>} : memref<8448xf32, #tpu.memory_space<vmem>>, vector<16xf32>,
        tpu.vector_store %arg9[%swap3A_218], %broadcast_in_dim3A_5 {strides = array<i32>} : memref<8448xf32, #tpu.memory_space<vmem>>, vector<16xf32>,
        %add3A_220 = arith.constant 4752 : i32
        %add3A_221 = arith.addi %add3A_220, %mul3A_144 : i32
        %swap3A_222 = arith.index_cast %add3A_221 : i32 to index
        %swap3A_223 = tpu.vector_load %arg10[%swap3A_222] {strides = array<i32>} : memref<8448xf32, #tpu.memory_space<vmem>>, vector<16xf32>,
        tpu.vector_store %arg10[%swap3A_222], %broadcast_in_dim3A_5 {strides = array<i32>} : memref<8448xf32, #tpu.memory_space<vmem>>, vector<16xf32>,
        %add3A_224 = arith.constant 5280 : i32
        %add3A_225 = arith.addi %add3A_224, %mul3A_144 : i32
        %swap3A_226 = arith.index_cast %add3A_225 : i32 to index
        %swap3A_227 = tpu.vector_load %arg9[%swap3A_226] {strides = array<i32>} : memref<8448xf32, #tpu.memory_space<vmem>>, vector<16xf32>,
        tpu.vector_store %arg9[%swap3A_226], %broadcast_in_dim3A_5 {strides = array<i32>} : memref<8448xf32, #tpu.memory_space<vmem>>, vector<16xf32>,
        %add3A_228 = arith.constant 5280 : i32
        %add3A_229 = arith.addi %add3A_228, %mul3A_144 : i32
        %swap3A_230 = arith.index_cast %add3A_229 : i32 to index
        %swap3A_231 = tpu.vector_load %arg10[%swap3A_230] {strides = array<i32>} : memref<8448xf32, #tpu.memory_space<vmem>>, vector<16xf32>,
        tpu.vector_store %arg10[%swap3A_230], %broadcast_in_dim3A_5 {strides = array<i32>} : memref<8448xf32, #tpu.memory_space<vmem>>, vector<16xf32>,
        %add3A_232 = arith.constant 5808 : i32
        %add3A_233 = arith.addi %add3A_232, %mul3A_144 : i32
        %swap3A_234 = arith.index_cast %add3A_233 : i32 to index
        %swap3A_235 = tpu.vector_load %arg9[%swap3A_234] {strides = array<i32>} : memref<8448xf32, #tpu.memory_space<vmem>>, vector<16xf32>,
        tpu.vector_store %arg9[%swap3A_234], %broadcast_in_dim3A_5 {strides = array<i32>} : memref<8448xf32, #tpu.memory_space<vmem>>, vector<16xf32>,
        %add3A_236 = arith.constant 5808 : i32
        %add3A_237 = arith.addi %add3A_236, %mul3A_144 : i32
        %swap3A_238 = arith.index_cast %add3A_237 : i32 to index
        %swap3A_239 = tpu.vector_load %arg10[%swap3A_238] {strides = array<i32>} : memref<8448xf32, #tpu.memory_space<vmem>>, vector<16xf32>,
        tpu.vector_store %arg10[%swap3A_238], %broadcast_in_dim3A_5 {strides = array<i32>} : memref<8448xf32, #tpu.memory_space<vmem>>, vector<16xf32>,
        %add3A_240 = arith.constant 6336 : i32
        %add3A_241 = arith.addi %add3A_240, %mul3A_144 : i32
        %swap3A_242 = arith.index_cast %add3A_241 : i32 to index
        %swap3A_243 = tpu.vector_load %arg9[%swap3A_242] {strides = array<i32>} : memref<8448xf32, #tpu.memory_space<vmem>>, vector<16xf32>,
        tpu.vector_store %arg9[%swap3A_242], %broadcast_in_dim3A_5 {strides = array<i32>} : memref<8448xf32, #tpu.memory_space<vmem>>, vector<16xf32>,
        %add3A_244 = arith.constant 6336 : i32
        %add3A_245 = arith.addi %add3A_244, %mul3A_144 : i32
        %swap3A_246 = arith.index_cast %add3A_245 : i32 to index
        %swap3A_247 = tpu.vector_load %arg10[%swap3A_246] {strides = array<i32>} : memref<8448xf32, #tpu.memory_space<vmem>>, vector<16xf32>,
        tpu.vector_store %arg10[%swap3A_246], %broadcast_in_dim3A_5 {strides = array<i32>} : memref<8448xf32, #tpu.memory_space<vmem>>, vector<16xf32>,
        %add3A_248 = arith.constant 6864 : i32
        %add3A_249 = arith.addi %add3A_248, %mul3A_144 : i32
        %swap3A_250 = arith.index_cast %add3A_249 : i32 to index
        %swap3A_251 = tpu.vector_load %arg9[%swap3A_250] {strides = array<i32>} : memref<8448xf32, #tpu.memory_space<vmem>>, vector<16xf32>,
        tpu.vector_store %arg9[%swap3A_250], %broadcast_in_dim3A_5 {strides = array<i32>} : memref<8448xf32, #tpu.memory_space<vmem>>, vector<16xf32>,
        %add3A_252 = arith.constant 6864 : i32
        %add3A_253 = arith.addi %add3A_252, %mul3A_144 : i32
        %swap3A_254 = arith.index_cast %add3A_253 : i32 to index
        %swap3A_255 = tpu.vector_load %arg10[%swap3A_254] {strides = array<i32>} : memref<8448xf32, #tpu.memory_space<vmem>>, vector<16xf32>,
        tpu.vector_store %arg10[%swap3A_254], %broadcast_in_dim3A_5 {strides = array<i32>} : memref<8448xf32, #tpu.memory_space<vmem>>, vector<16xf32>,
        %add3A_256 = arith.constant 7392 : i32
        %add3A_257 = arith.addi %add3A_256, %mul3A_144 : i32
        %swap3A_258 = arith.index_cast %add3A_257 : i32 to index
        %swap3A_259 = tpu.vector_load %arg9[%swap3A_258] {strides = array<i32>} : memref<8448xf32, #tpu.memory_space<vmem>>, vector<16xf32>,
        tpu.vector_store %arg9[%swap3A_258], %broadcast_in_dim3A_5 {strides = array<i32>} : memref<8448xf32, #tpu.memory_space<vmem>>, vector<16xf32>,
        %add3A_260 = arith.constant 7392 : i32
        %add3A_261 = arith.addi %add3A_260, %mul3A_144 : i32
        %swap3A_262 = arith.index_cast %add3A_261 : i32 to index
        %swap3A_263 = tpu.vector_load %arg10[%swap3A_262] {strides = array<i32>} : memref<8448xf32, #tpu.memory_space<vmem>>, vector<16xf32>,
        tpu.vector_store %arg10[%swap3A_262], %broadcast_in_dim3A_5 {strides = array<i32>} : memref<8448xf32, #tpu.memory_space<vmem>>, vector<16xf32>,
        %add3A_264 = arith.constant 7920 : i32
        %add3A_265 = arith.addi %add3A_264, %mul3A_144 : i32
        %swap3A_266 = arith.index_cast %add3A_265 : i32 to index
        %swap3A_267 = tpu.vector_load %arg9[%swap3A_266] {strides = array<i32>} : memref<8448xf32, #tpu.memory_space<vmem>>, vector<16xf32>,
        tpu.vector_store %arg9[%swap3A_266], %broadcast_in_dim3A_5 {strides = array<i32>} : memref<8448xf32, #tpu.memory_space<vmem>>, vector<16xf32>,
        %add3A_268 = arith.constant 7920 : i32
        %add3A_269 = arith.addi %add3A_268, %mul3A_144 : i32
        %swap3A_270 = arith.index_cast %add3A_269 : i32 to index
        %swap3A_271 = tpu.vector_load %arg10[%swap3A_270] {strides = array<i32>} : memref<8448xf32, #tpu.memory_space<vmem>>, vector<16xf32>,
        tpu.vector_store %arg10[%swap3A_270], %broadcast_in_dim3A_5 {strides = array<i32>} : memref<8448xf32, #tpu.memory_space<vmem>>, vector<16xf32>,
      }
      %scan3A_80 = arith.constant 0 : i32
      %scan3A_81 = arith.constant 0 : i32
      %scan3A_82 = arith.constant 104 : i32
      %scan3A_83 = arith.addi %scan3A_81, %scan3A_82 : i32
      %scan3A_84 = arith.constant 1 : i32
      scf.for %scan3A_142 = %scan3A_81 to %scan3A_83 step %scan3A_84  : i32 {
        %mul3A_143 = arith.constant 32 : i32
        %mul3A_144 = arith.muli %scan3A_142, %mul3A_143 : i32
        %add3A_145 = arith.constant 0 : i32
        %add3A_146 = arith.addi %mul3A_144, %add3A_145 : i32
        %multiple_of3A = tpu.assume_multiple %add3A_146, 16 : i32
        %get3A_147 = arith.index_cast %multiple_of3A : i32 to index
        %get3A_148 = tpu.vector_load %arg7[%get3A_147] {strides = array<i32>} : memref<3328xf32, #tpu.memory_space<vmem>>, vector<16xf32>,
        %get3A_149 = arith.index_cast %multiple_of3A : i32 to index
        %get3A_150 = tpu.vector_load %arg8[%get3A_149] {strides = array<i32>} : memref<3328xi32, #tpu.memory_space<vmem>>, vector<16xi32>,
        %add3A_151 = arith.addi %mul3A_8, %get3A_150 : vector<16xi32>
        %gather3A = tpu.vector_load_idx %arg9[%add3A_151] : memref<8448xf32, #tpu.memory_space<vmem>>[vector<16xi32>], vector<16xf32>,
        %add3A_152 = arith.addf %gather3A, %get3A_148 : vector<16xf32>
        tpu.vector_store_idx %arg9[%add3A_151], %add3A_152 : memref<8448xf32, #tpu.memory_space<vmem>>[vector<16xi32>], vector<16xf32>,
        %mul3A_153 = arith.constant 32 : i32
        %mul3A_154 = arith.muli %scan3A_142, %mul3A_153 : i32
        %add3A_155 = arith.constant 16 : i32
        %add3A_156 = arith.addi %mul3A_154, %add3A_155 : i32
        %multiple_of3A_157 = tpu.assume_multiple %add3A_156, 16 : i32
        %get3A_158 = arith.index_cast %multiple_of3A_157 : i32 to index
        %get3A_159 = tpu.vector_load %arg7[%get3A_158] {strides = array<i32>} : memref<3328xf32, #tpu.memory_space<vmem>>, vector<16xf32>,
        %get3A_160 = arith.index_cast %multiple_of3A_157 : i32 to index
        %get3A_161 = tpu.vector_load %arg8[%get3A_160] {strides = array<i32>} : memref<3328xi32, #tpu.memory_space<vmem>>, vector<16xi32>,
        %add3A_162 = arith.addi %mul3A_8, %get3A_161 : vector<16xi32>
        %gather3A_163 = tpu.vector_load_idx %arg10[%add3A_162] : memref<8448xf32, #tpu.memory_space<vmem>>[vector<16xi32>], vector<16xf32>,
        %add3A_164 = arith.addf %gather3A_163, %get3A_159 : vector<16xf32>
        tpu.vector_store_idx %arg10[%add3A_162], %add3A_164 : memref<8448xf32, #tpu.memory_space<vmem>>[vector<16xi32>], vector<16xf32>,
      }
      %scan3A_85 = arith.constant 104 : i32
      %while3A_86 = arith.constant 0 : i32
      %while3A_87 = arith.subi %add3A_66, %select_n3A : i32
      %while3A_88 = arith.addi %select_n3A, %while3A_87 : i32
      %while3A_89 = arith.constant 1 : i32
      %while3A_90 = arith.divsi %while3A_87, %while3A_89 : i32
      %while3A_91 = arith.muli %while3A_90, %while3A_89 : i32
      %while3A_92 = arith.addi %select_n3A, %while3A_91 : i32
      %while3A_93 = arith.constant 1 : i32
      scf.for %while3A_142 = %select_n3A to %while3A_92 step %while3A_93  : i32 {
        %mul3A_143 = arith.constant 16 : i32
        %mul3A_144 = arith.muli %while3A_142, %mul3A_143 : i32
        %get3A_145 = arith.index_cast %mul3A_144 : i32 to index
        %get3A_146 = tpu.vector_load %arg9[%get3A_145] {strides = array<i32>} : memref<8448xf32, #tpu.memory_space<vmem>>, vector<16xf32>,
        %get3A_147 = arith.index_cast %mul3A_144 : i32 to index
        %get3A_148 = tpu.vector_load %arg10[%get3A_147] {strides = array<i32>} : memref<8448xf32, #tpu.memory_space<vmem>>, vector<16xf32>,
        %add3A_149 = arith.addf %get3A_146, %get3A_148 : vector<16xf32>
        %add3A_150 = arith.constant 528 : i32
        %add3A_151 = arith.addi %add3A_150, %mul3A_144 : i32
        %get3A_152 = arith.index_cast %add3A_151 : i32 to index
        %get3A_153 = tpu.vector_load %arg9[%get3A_152] {strides = array<i32>} : memref<8448xf32, #tpu.memory_space<vmem>>, vector<16xf32>,
        %add3A_154 = arith.constant 528 : i32
        %add3A_155 = arith.addi %add3A_154, %mul3A_144 : i32
        %get3A_156 = arith.index_cast %add3A_155 : i32 to index
        %get3A_157 = tpu.vector_load %arg10[%get3A_156] {strides = array<i32>} : memref<8448xf32, #tpu.memory_space<vmem>>, vector<16xf32>,
        %add3A_158 = arith.addf %get3A_153, %get3A_157 : vector<16xf32>
        %add3A_159 = arith.addf %add3A_149, %add3A_158 : vector<16xf32>
        %add3A_160 = arith.constant 1056 : i32
        %add3A_161 = arith.addi %add3A_160, %mul3A_144 : i32
        %get3A_162 = arith.index_cast %add3A_161 : i32 to index
        %get3A_163 = tpu.vector_load %arg9[%get3A_162] {strides = array<i32>} : memref<8448xf32, #tpu.memory_space<vmem>>, vector<16xf32>,
        %add3A_164 = arith.constant 1056 : i32
        %add3A_165 = arith.addi %add3A_164, %mul3A_144 : i32
        %get3A_166 = arith.index_cast %add3A_165 : i32 to index
        %get3A_167 = tpu.vector_load %arg10[%get3A_166] {strides = array<i32>} : memref<8448xf32, #tpu.memory_space<vmem>>, vector<16xf32>,
        %add3A_168 = arith.addf %get3A_163, %get3A_167 : vector<16xf32>
        %add3A_169 = arith.addf %add3A_159, %add3A_168 : vector<16xf32>
        %add3A_170 = arith.constant 1584 : i32
        %add3A_171 = arith.addi %add3A_170, %mul3A_144 : i32
        %get3A_172 = arith.index_cast %add3A_171 : i32 to index
        %get3A_173 = tpu.vector_load %arg9[%get3A_172] {strides = array<i32>} : memref<8448xf32, #tpu.memory_space<vmem>>, vector<16xf32>,
        %add3A_174 = arith.constant 1584 : i32
        %add3A_175 = arith.addi %add3A_174, %mul3A_144 : i32
        %get3A_176 = arith.index_cast %add3A_175 : i32 to index
        %get3A_177 = tpu.vector_load %arg10[%get3A_176] {strides = array<i32>} : memref<8448xf32, #tpu.memory_space<vmem>>, vector<16xf32>,
        %add3A_178 = arith.addf %get3A_173, %get3A_177 : vector<16xf32>
        %add3A_179 = arith.addf %add3A_169, %add3A_178 : vector<16xf32>
        %add3A_180 = arith.constant 2112 : i32
        %add3A_181 = arith.addi %add3A_180, %mul3A_144 : i32
        %get3A_182 = arith.index_cast %add3A_181 : i32 to index
        %get3A_183 = tpu.vector_load %arg9[%get3A_182] {strides = array<i32>} : memref<8448xf32, #tpu.memory_space<vmem>>, vector<16xf32>,
        %add3A_184 = arith.constant 2112 : i32
        %add3A_185 = arith.addi %add3A_184, %mul3A_144 : i32
        %get3A_186 = arith.index_cast %add3A_185 : i32 to index
        %get3A_187 = tpu.vector_load %arg10[%get3A_186] {strides = array<i32>} : memref<8448xf32, #tpu.memory_space<vmem>>, vector<16xf32>,
        %add3A_188 = arith.addf %get3A_183, %get3A_187 : vector<16xf32>
        %add3A_189 = arith.addf %add3A_179, %add3A_188 : vector<16xf32>
        %add3A_190 = arith.constant 2640 : i32
        %add3A_191 = arith.addi %add3A_190, %mul3A_144 : i32
        %get3A_192 = arith.index_cast %add3A_191 : i32 to index
        %get3A_193 = tpu.vector_load %arg9[%get3A_192] {strides = array<i32>} : memref<8448xf32, #tpu.memory_space<vmem>>, vector<16xf32>,
        %add3A_194 = arith.constant 2640 : i32
        %add3A_195 = arith.addi %add3A_194, %mul3A_144 : i32
        %get3A_196 = arith.index_cast %add3A_195 : i32 to index
        %get3A_197 = tpu.vector_load %arg10[%get3A_196] {strides = array<i32>} : memref<8448xf32, #tpu.memory_space<vmem>>, vector<16xf32>,
        %add3A_198 = arith.addf %get3A_193, %get3A_197 : vector<16xf32>
        %add3A_199 = arith.addf %add3A_189, %add3A_198 : vector<16xf32>
        %add3A_200 = arith.constant 3168 : i32
        %add3A_201 = arith.addi %add3A_200, %mul3A_144 : i32
        %get3A_202 = arith.index_cast %add3A_201 : i32 to index
        %get3A_203 = tpu.vector_load %arg9[%get3A_202] {strides = array<i32>} : memref<8448xf32, #tpu.memory_space<vmem>>, vector<16xf32>,
        %add3A_204 = arith.constant 3168 : i32
        %add3A_205 = arith.addi %add3A_204, %mul3A_144 : i32
        %get3A_206 = arith.index_cast %add3A_205 : i32 to index
        %get3A_207 = tpu.vector_load %arg10[%get3A_206] {strides = array<i32>} : memref<8448xf32, #tpu.memory_space<vmem>>, vector<16xf32>,
        %add3A_208 = arith.addf %get3A_203, %get3A_207 : vector<16xf32>
        %add3A_209 = arith.addf %add3A_199, %add3A_208 : vector<16xf32>
        %add3A_210 = arith.constant 3696 : i32
        %add3A_211 = arith.addi %add3A_210, %mul3A_144 : i32
        %get3A_212 = arith.index_cast %add3A_211 : i32 to index
        %get3A_213 = tpu.vector_load %arg9[%get3A_212] {strides = array<i32>} : memref<8448xf32, #tpu.memory_space<vmem>>, vector<16xf32>,
        %add3A_214 = arith.constant 3696 : i32
        %add3A_215 = arith.addi %add3A_214, %mul3A_144 : i32
        %get3A_216 = arith.index_cast %add3A_215 : i32 to index
        %get3A_217 = tpu.vector_load %arg10[%get3A_216] {strides = array<i32>} : memref<8448xf32, #tpu.memory_space<vmem>>, vector<16xf32>,
        %add3A_218 = arith.addf %get3A_213, %get3A_217 : vector<16xf32>
        %add3A_219 = arith.addf %add3A_209, %add3A_218 : vector<16xf32>
        %add3A_220 = arith.constant 4224 : i32
        %add3A_221 = arith.addi %add3A_220, %mul3A_144 : i32
        %get3A_222 = arith.index_cast %add3A_221 : i32 to index
        %get3A_223 = tpu.vector_load %arg9[%get3A_222] {strides = array<i32>} : memref<8448xf32, #tpu.memory_space<vmem>>, vector<16xf32>,
        %add3A_224 = arith.constant 4224 : i32
        %add3A_225 = arith.addi %add3A_224, %mul3A_144 : i32
        %get3A_226 = arith.index_cast %add3A_225 : i32 to index
        %get3A_227 = tpu.vector_load %arg10[%get3A_226] {strides = array<i32>} : memref<8448xf32, #tpu.memory_space<vmem>>, vector<16xf32>,
        %add3A_228 = arith.addf %get3A_223, %get3A_227 : vector<16xf32>
        %add3A_229 = arith.addf %add3A_219, %add3A_228 : vector<16xf32>
        %add3A_230 = arith.constant 4752 : i32
        %add3A_231 = arith.addi %add3A_230, %mul3A_144 : i32
        %get3A_232 = arith.index_cast %add3A_231 : i32 to index
        %get3A_233 = tpu.vector_load %arg9[%get3A_232] {strides = array<i32>} : memref<8448xf32, #tpu.memory_space<vmem>>, vector<16xf32>,
        %add3A_234 = arith.constant 4752 : i32
        %add3A_235 = arith.addi %add3A_234, %mul3A_144 : i32
        %get3A_236 = arith.index_cast %add3A_235 : i32 to index
        %get3A_237 = tpu.vector_load %arg10[%get3A_236] {strides = array<i32>} : memref<8448xf32, #tpu.memory_space<vmem>>, vector<16xf32>,
        %add3A_238 = arith.addf %get3A_233, %get3A_237 : vector<16xf32>
        %add3A_239 = arith.addf %add3A_229, %add3A_238 : vector<16xf32>
        %add3A_240 = arith.constant 5280 : i32
        %add3A_241 = arith.addi %add3A_240, %mul3A_144 : i32
        %get3A_242 = arith.index_cast %add3A_241 : i32 to index
        %get3A_243 = tpu.vector_load %arg9[%get3A_242] {strides = array<i32>} : memref<8448xf32, #tpu.memory_space<vmem>>, vector<16xf32>,
        %add3A_244 = arith.constant 5280 : i32
        %add3A_245 = arith.addi %add3A_244, %mul3A_144 : i32
        %get3A_246 = arith.index_cast %add3A_245 : i32 to index
        %get3A_247 = tpu.vector_load %arg10[%get3A_246] {strides = array<i32>} : memref<8448xf32, #tpu.memory_space<vmem>>, vector<16xf32>,
        %add3A_248 = arith.addf %get3A_243, %get3A_247 : vector<16xf32>
        %add3A_249 = arith.addf %add3A_239, %add3A_248 : vector<16xf32>
        %add3A_250 = arith.constant 5808 : i32
        %add3A_251 = arith.addi %add3A_250, %mul3A_144 : i32
        %get3A_252 = arith.index_cast %add3A_251 : i32 to index
        %get3A_253 = tpu.vector_load %arg9[%get3A_252] {strides = array<i32>} : memref<8448xf32, #tpu.memory_space<vmem>>, vector<16xf32>,
        %add3A_254 = arith.constant 5808 : i32
        %add3A_255 = arith.addi %add3A_254, %mul3A_144 : i32
        %get3A_256 = arith.index_cast %add3A_255 : i32 to index
        %get3A_257 = tpu.vector_load %arg10[%get3A_256] {strides = array<i32>} : memref<8448xf32, #tpu.memory_space<vmem>>, vector<16xf32>,
        %add3A_258 = arith.addf %get3A_253, %get3A_257 : vector<16xf32>
        %add3A_259 = arith.addf %add3A_249, %add3A_258 : vector<16xf32>
        %add3A_260 = arith.constant 6336 : i32
        %add3A_261 = arith.addi %add3A_260, %mul3A_144 : i32
        %get3A_262 = arith.index_cast %add3A_261 : i32 to index
        %get3A_263 = tpu.vector_load %arg9[%get3A_262] {strides = array<i32>} : memref<8448xf32, #tpu.memory_space<vmem>>, vector<16xf32>,
        %add3A_264 = arith.constant 6336 : i32
        %add3A_265 = arith.addi %add3A_264, %mul3A_144 : i32
        %get3A_266 = arith.index_cast %add3A_265 : i32 to index
        %get3A_267 = tpu.vector_load %arg10[%get3A_266] {strides = array<i32>} : memref<8448xf32, #tpu.memory_space<vmem>>, vector<16xf32>,
        %add3A_268 = arith.addf %get3A_263, %get3A_267 : vector<16xf32>
        %add3A_269 = arith.addf %add3A_259, %add3A_268 : vector<16xf32>
        %add3A_270 = arith.constant 6864 : i32
        %add3A_271 = arith.addi %add3A_270, %mul3A_144 : i32
        %get3A_272 = arith.index_cast %add3A_271 : i32 to index
        %get3A_273 = tpu.vector_load %arg9[%get3A_272] {strides = array<i32>} : memref<8448xf32, #tpu.memory_space<vmem>>, vector<16xf32>,
        %add3A_274 = arith.constant 6864 : i32
        %add3A_275 = arith.addi %add3A_274, %mul3A_144 : i32
        %get3A_276 = arith.index_cast %add3A_275 : i32 to index
        %get3A_277 = tpu.vector_load %arg10[%get3A_276] {strides = array<i32>} : memref<8448xf32, #tpu.memory_space<vmem>>, vector<16xf32>,
        %add3A_278 = arith.addf %get3A_273, %get3A_277 : vector<16xf32>
        %add3A_279 = arith.addf %add3A_269, %add3A_278 : vector<16xf32>
        %add3A_280 = arith.constant 7392 : i32
        %add3A_281 = arith.addi %add3A_280, %mul3A_144 : i32
        %get3A_282 = arith.index_cast %add3A_281 : i32 to index
        %get3A_283 = tpu.vector_load %arg9[%get3A_282] {strides = array<i32>} : memref<8448xf32, #tpu.memory_space<vmem>>, vector<16xf32>,
        %add3A_284 = arith.constant 7392 : i32
        %add3A_285 = arith.addi %add3A_284, %mul3A_144 : i32
        %get3A_286 = arith.index_cast %add3A_285 : i32 to index
        %get3A_287 = tpu.vector_load %arg10[%get3A_286] {strides = array<i32>} : memref<8448xf32, #tpu.memory_space<vmem>>, vector<16xf32>,
        %add3A_288 = arith.addf %get3A_283, %get3A_287 : vector<16xf32>
        %add3A_289 = arith.addf %add3A_279, %add3A_288 : vector<16xf32>
        %add3A_290 = arith.constant 7920 : i32
        %add3A_291 = arith.addi %add3A_290, %mul3A_144 : i32
        %get3A_292 = arith.index_cast %add3A_291 : i32 to index
        %get3A_293 = tpu.vector_load %arg9[%get3A_292] {strides = array<i32>} : memref<8448xf32, #tpu.memory_space<vmem>>, vector<16xf32>,
        %add3A_294 = arith.constant 7920 : i32
        %add3A_295 = arith.addi %add3A_294, %mul3A_144 : i32
        %get3A_296 = arith.index_cast %add3A_295 : i32 to index
        %get3A_297 = tpu.vector_load %arg10[%get3A_296] {strides = array<i32>} : memref<8448xf32, #tpu.memory_space<vmem>>, vector<16xf32>,
        %add3A_298 = arith.addf %get3A_293, %get3A_297 : vector<16xf32>
        %add3A_299 = arith.addf %add3A_289, %add3A_298 : vector<16xf32>
        %swap3A = arith.index_cast %mul3A_144 : i32 to index
        %swap3A_300 = tpu.vector_load %arg12[%swap3A] {strides = array<i32>} : memref<528xf32, #tpu.memory_space<vmem>>, vector<16xf32>,
        tpu.vector_store %arg12[%swap3A], %add3A_299 {strides = array<i32>} : memref<528xf32, #tpu.memory_space<vmem>>, vector<16xf32>,
      }
      %while3A_94 = arith.constant 1 : i32
      scf.for %while3A_142 = %while3A_92 to %while3A_88 step %while3A_94  : i32 {
        %mul3A_143 = arith.constant 16 : i32
        %mul3A_144 = arith.muli %while3A_142, %mul3A_143 : i32
        %get3A_145 = arith.index_cast %mul3A_144 : i32 to index
        %get3A_146 = tpu.vector_load %arg9[%get3A_145] {strides = array<i32>} : memref<8448xf32, #tpu.memory_space<vmem>>, vector<16xf32>,
        %get3A_147 = arith.index_cast %mul3A_144 : i32 to index
        %get3A_148 = tpu.vector_load %arg10[%get3A_147] {strides = array<i32>} : memref<8448xf32, #tpu.memory_space<vmem>>, vector<16xf32>,
        %add3A_149 = arith.addf %get3A_146, %get3A_148 : vector<16xf32>
        %add3A_150 = arith.constant 528 : i32
        %add3A_151 = arith.addi %add3A_150, %mul3A_144 : i32
        %get3A_152 = arith.index_cast %add3A_151 : i32 to index
        %get3A_153 = tpu.vector_load %arg9[%get3A_152] {strides = array<i32>} : memref<8448xf32, #tpu.memory_space<vmem>>, vector<16xf32>,
        %add3A_154 = arith.constant 528 : i32
        %add3A_155 = arith.addi %add3A_154, %mul3A_144 : i32
        %get3A_156 = arith.index_cast %add3A_155 : i32 to index
        %get3A_157 = tpu.vector_load %arg10[%get3A_156] {strides = array<i32>} : memref<8448xf32, #tpu.memory_space<vmem>>, vector<16xf32>,
        %add3A_158 = arith.addf %get3A_153, %get3A_157 : vector<16xf32>
        %add3A_159 = arith.addf %add3A_149, %add3A_158 : vector<16xf32>
        %add3A_160 = arith.constant 1056 : i32
        %add3A_161 = arith.addi %add3A_160, %mul3A_144 : i32
        %get3A_162 = arith.index_cast %add3A_161 : i32 to index
        %get3A_163 = tpu.vector_load %arg9[%get3A_162] {strides = array<i32>} : memref<8448xf32, #tpu.memory_space<vmem>>, vector<16xf32>,
        %add3A_164 = arith.constant 1056 : i32
        %add3A_165 = arith.addi %add3A_164, %mul3A_144 : i32
        %get3A_166 = arith.index_cast %add3A_165 : i32 to index
        %get3A_167 = tpu.vector_load %arg10[%get3A_166] {strides = array<i32>} : memref<8448xf32, #tpu.memory_space<vmem>>, vector<16xf32>,
        %add3A_168 = arith.addf %get3A_163, %get3A_167 : vector<16xf32>
        %add3A_169 = arith.addf %add3A_159, %add3A_168 : vector<16xf32>
        %add3A_170 = arith.constant 1584 : i32
        %add3A_171 = arith.addi %add3A_170, %mul3A_144 : i32
        %get3A_172 = arith.index_cast %add3A_171 : i32 to index
        %get3A_173 = tpu.vector_load %arg9[%get3A_172] {strides = array<i32>} : memref<8448xf32, #tpu.memory_space<vmem>>, vector<16xf32>,
        %add3A_174 = arith.constant 1584 : i32
        %add3A_175 = arith.addi %add3A_174, %mul3A_144 : i32
        %get3A_176 = arith.index_cast %add3A_175 : i32 to index
        %get3A_177 = tpu.vector_load %arg10[%get3A_176] {strides = array<i32>} : memref<8448xf32, #tpu.memory_space<vmem>>, vector<16xf32>,
        %add3A_178 = arith.addf %get3A_173, %get3A_177 : vector<16xf32>
        %add3A_179 = arith.addf %add3A_169, %add3A_178 : vector<16xf32>
        %add3A_180 = arith.constant 2112 : i32
        %add3A_181 = arith.addi %add3A_180, %mul3A_144 : i32
        %get3A_182 = arith.index_cast %add3A_181 : i32 to index
        %get3A_183 = tpu.vector_load %arg9[%get3A_182] {strides = array<i32>} : memref<8448xf32, #tpu.memory_space<vmem>>, vector<16xf32>,
        %add3A_184 = arith.constant 2112 : i32
        %add3A_185 = arith.addi %add3A_184, %mul3A_144 : i32
        %get3A_186 = arith.index_cast %add3A_185 : i32 to index
        %get3A_187 = tpu.vector_load %arg10[%get3A_186] {strides = array<i32>} : memref<8448xf32, #tpu.memory_space<vmem>>, vector<16xf32>,
        %add3A_188 = arith.addf %get3A_183, %get3A_187 : vector<16xf32>
        %add3A_189 = arith.addf %add3A_179, %add3A_188 : vector<16xf32>
        %add3A_190 = arith.constant 2640 : i32
        %add3A_191 = arith.addi %add3A_190, %mul3A_144 : i32
        %get3A_192 = arith.index_cast %add3A_191 : i32 to index
        %get3A_193 = tpu.vector_load %arg9[%get3A_192] {strides = array<i32>} : memref<8448xf32, #tpu.memory_space<vmem>>, vector<16xf32>,
        %add3A_194 = arith.constant 2640 : i32
        %add3A_195 = arith.addi %add3A_194, %mul3A_144 : i32
        %get3A_196 = arith.index_cast %add3A_195 : i32 to index
        %get3A_197 = tpu.vector_load %arg10[%get3A_196] {strides = array<i32>} : memref<8448xf32, #tpu.memory_space<vmem>>, vector<16xf32>,
        %add3A_198 = arith.addf %get3A_193, %get3A_197 : vector<16xf32>
        %add3A_199 = arith.addf %add3A_189, %add3A_198 : vector<16xf32>
        %add3A_200 = arith.constant 3168 : i32
        %add3A_201 = arith.addi %add3A_200, %mul3A_144 : i32
        %get3A_202 = arith.index_cast %add3A_201 : i32 to index
        %get3A_203 = tpu.vector_load %arg9[%get3A_202] {strides = array<i32>} : memref<8448xf32, #tpu.memory_space<vmem>>, vector<16xf32>,
        %add3A_204 = arith.constant 3168 : i32
        %add3A_205 = arith.addi %add3A_204, %mul3A_144 : i32
        %get3A_206 = arith.index_cast %add3A_205 : i32 to index
        %get3A_207 = tpu.vector_load %arg10[%get3A_206] {strides = array<i32>} : memref<8448xf32, #tpu.memory_space<vmem>>, vector<16xf32>,
        %add3A_208 = arith.addf %get3A_203, %get3A_207 : vector<16xf32>
        %add3A_209 = arith.addf %add3A_199, %add3A_208 : vector<16xf32>
        %add3A_210 = arith.constant 3696 : i32
        %add3A_211 = arith.addi %add3A_210, %mul3A_144 : i32
        %get3A_212 = arith.index_cast %add3A_211 : i32 to index
        %get3A_213 = tpu.vector_load %arg9[%get3A_212] {strides = array<i32>} : memref<8448xf32, #tpu.memory_space<vmem>>, vector<16xf32>,
        %add3A_214 = arith.constant 3696 : i32
        %add3A_215 = arith.addi %add3A_214, %mul3A_144 : i32
        %get3A_216 = arith.index_cast %add3A_215 : i32 to index
        %get3A_217 = tpu.vector_load %arg10[%get3A_216] {strides = array<i32>} : memref<8448xf32, #tpu.memory_space<vmem>>, vector<16xf32>,
        %add3A_218 = arith.addf %get3A_213, %get3A_217 : vector<16xf32>
        %add3A_219 = arith.addf %add3A_209, %add3A_218 : vector<16xf32>
        %add3A_220 = arith.constant 4224 : i32
        %add3A_221 = arith.addi %add3A_220, %mul3A_144 : i32
        %get3A_222 = arith.index_cast %add3A_221 : i32 to index
        %get3A_223 = tpu.vector_load %arg9[%get3A_222] {strides = array<i32>} : memref<8448xf32, #tpu.memory_space<vmem>>, vector<16xf32>,
        %add3A_224 = arith.constant 4224 : i32
        %add3A_225 = arith.addi %add3A_224, %mul3A_144 : i32
        %get3A_226 = arith.index_cast %add3A_225 : i32 to index
        %get3A_227 = tpu.vector_load %arg10[%get3A_226] {strides = array<i32>} : memref<8448xf32, #tpu.memory_space<vmem>>, vector<16xf32>,
        %add3A_228 = arith.addf %get3A_223, %get3A_227 : vector<16xf32>
        %add3A_229 = arith.addf %add3A_219, %add3A_228 : vector<16xf32>
        %add3A_230 = arith.constant 4752 : i32
        %add3A_231 = arith.addi %add3A_230, %mul3A_144 : i32
        %get3A_232 = arith.index_cast %add3A_231 : i32 to index
        %get3A_233 = tpu.vector_load %arg9[%get3A_232] {strides = array<i32>} : memref<8448xf32, #tpu.memory_space<vmem>>, vector<16xf32>,
        %add3A_234 = arith.constant 4752 : i32
        %add3A_235 = arith.addi %add3A_234, %mul3A_144 : i32
        %get3A_236 = arith.index_cast %add3A_235 : i32 to index
        %get3A_237 = tpu.vector_load %arg10[%get3A_236] {strides = array<i32>} : memref<8448xf32, #tpu.memory_space<vmem>>, vector<16xf32>,
        %add3A_238 = arith.addf %get3A_233, %get3A_237 : vector<16xf32>
        %add3A_239 = arith.addf %add3A_229, %add3A_238 : vector<16xf32>
        %add3A_240 = arith.constant 5280 : i32
        %add3A_241 = arith.addi %add3A_240, %mul3A_144 : i32
        %get3A_242 = arith.index_cast %add3A_241 : i32 to index
        %get3A_243 = tpu.vector_load %arg9[%get3A_242] {strides = array<i32>} : memref<8448xf32, #tpu.memory_space<vmem>>, vector<16xf32>,
        %add3A_244 = arith.constant 5280 : i32
        %add3A_245 = arith.addi %add3A_244, %mul3A_144 : i32
        %get3A_246 = arith.index_cast %add3A_245 : i32 to index
        %get3A_247 = tpu.vector_load %arg10[%get3A_246] {strides = array<i32>} : memref<8448xf32, #tpu.memory_space<vmem>>, vector<16xf32>,
        %add3A_248 = arith.addf %get3A_243, %get3A_247 : vector<16xf32>
        %add3A_249 = arith.addf %add3A_239, %add3A_248 : vector<16xf32>
        %add3A_250 = arith.constant 5808 : i32
        %add3A_251 = arith.addi %add3A_250, %mul3A_144 : i32
        %get3A_252 = arith.index_cast %add3A_251 : i32 to index
        %get3A_253 = tpu.vector_load %arg9[%get3A_252] {strides = array<i32>} : memref<8448xf32, #tpu.memory_space<vmem>>, vector<16xf32>,
        %add3A_254 = arith.constant 5808 : i32
        %add3A_255 = arith.addi %add3A_254, %mul3A_144 : i32
        %get3A_256 = arith.index_cast %add3A_255 : i32 to index
        %get3A_257 = tpu.vector_load %arg10[%get3A_256] {strides = array<i32>} : memref<8448xf32, #tpu.memory_space<vmem>>, vector<16xf32>,
        %add3A_258 = arith.addf %get3A_253, %get3A_257 : vector<16xf32>
        %add3A_259 = arith.addf %add3A_249, %add3A_258 : vector<16xf32>
        %add3A_260 = arith.constant 6336 : i32
        %add3A_261 = arith.addi %add3A_260, %mul3A_144 : i32
        %get3A_262 = arith.index_cast %add3A_261 : i32 to index
        %get3A_263 = tpu.vector_load %arg9[%get3A_262] {strides = array<i32>} : memref<8448xf32, #tpu.memory_space<vmem>>, vector<16xf32>,
        %add3A_264 = arith.constant 6336 : i32
        %add3A_265 = arith.addi %add3A_264, %mul3A_144 : i32
        %get3A_266 = arith.index_cast %add3A_265 : i32 to index
        %get3A_267 = tpu.vector_load %arg10[%get3A_266] {strides = array<i32>} : memref<8448xf32, #tpu.memory_space<vmem>>, vector<16xf32>,
        %add3A_268 = arith.addf %get3A_263, %get3A_267 : vector<16xf32>
        %add3A_269 = arith.addf %add3A_259, %add3A_268 : vector<16xf32>
        %add3A_270 = arith.constant 6864 : i32
        %add3A_271 = arith.addi %add3A_270, %mul3A_144 : i32
        %get3A_272 = arith.index_cast %add3A_271 : i32 to index
        %get3A_273 = tpu.vector_load %arg9[%get3A_272] {strides = array<i32>} : memref<8448xf32, #tpu.memory_space<vmem>>, vector<16xf32>,
        %add3A_274 = arith.constant 6864 : i32
        %add3A_275 = arith.addi %add3A_274, %mul3A_144 : i32
        %get3A_276 = arith.index_cast %add3A_275 : i32 to index
        %get3A_277 = tpu.vector_load %arg10[%get3A_276] {strides = array<i32>} : memref<8448xf32, #tpu.memory_space<vmem>>, vector<16xf32>,
        %add3A_278 = arith.addf %get3A_273, %get3A_277 : vector<16xf32>
        %add3A_279 = arith.addf %add3A_269, %add3A_278 : vector<16xf32>
        %add3A_280 = arith.constant 7392 : i32
        %add3A_281 = arith.addi %add3A_280, %mul3A_144 : i32
        %get3A_282 = arith.index_cast %add3A_281 : i32 to index
        %get3A_283 = tpu.vector_load %arg9[%get3A_282] {strides = array<i32>} : memref<8448xf32, #tpu.memory_space<vmem>>, vector<16xf32>,
        %add3A_284 = arith.constant 7392 : i32
        %add3A_285 = arith.addi %add3A_284, %mul3A_144 : i32
        %get3A_286 = arith.index_cast %add3A_285 : i32 to index
        %get3A_287 = tpu.vector_load %arg10[%get3A_286] {strides = array<i32>} : memref<8448xf32, #tpu.memory_space<vmem>>, vector<16xf32>,
        %add3A_288 = arith.addf %get3A_283, %get3A_287 : vector<16xf32>
        %add3A_289 = arith.addf %add3A_279, %add3A_288 : vector<16xf32>
        %add3A_290 = arith.constant 7920 : i32
        %add3A_291 = arith.addi %add3A_290, %mul3A_144 : i32
        %get3A_292 = arith.index_cast %add3A_291 : i32 to index
        %get3A_293 = tpu.vector_load %arg9[%get3A_292] {strides = array<i32>} : memref<8448xf32, #tpu.memory_space<vmem>>, vector<16xf32>,
        %add3A_294 = arith.constant 7920 : i32
        %add3A_295 = arith.addi %add3A_294, %mul3A_144 : i32
        %get3A_296 = arith.index_cast %add3A_295 : i32 to index
        %get3A_297 = tpu.vector_load %arg10[%get3A_296] {strides = array<i32>} : memref<8448xf32, #tpu.memory_space<vmem>>, vector<16xf32>,
        %add3A_298 = arith.addf %get3A_293, %get3A_297 : vector<16xf32>
        %add3A_299 = arith.addf %add3A_289, %add3A_298 : vector<16xf32>
        %swap3A = arith.index_cast %mul3A_144 : i32 to index
        %swap3A_300 = tpu.vector_load %arg12[%swap3A] {strides = array<i32>} : memref<528xf32, #tpu.memory_space<vmem>>, vector<16xf32>,
        tpu.vector_store %arg12[%swap3A], %add3A_299 {strides = array<i32>} : memref<528xf32, #tpu.memory_space<vmem>>, vector<16xf32>,
      }
      "tpu.region"() ({
        %run_scoped3A = tpu.sem_alloc : memref<!tpu.dma_semaphore, #tpu.memory_space<semaphore_mem>>
        %dma_start3A = arith.constant 0 : i32
        %dma_start3A_142 = tpu.memref_slice %arg14[%arg1, %dma_start3A] : memref<16x528xf32, #tpu.memory_space<vmem_shared>> -> memref<1x528xf32, #tpu.memory_space<vmem_shared>>
        %dma_start3A_143 = tpu.memref_squeeze %dma_start3A_142 : memref<1x528xf32, #tpu.memory_space<vmem_shared>> -> memref<528xf32, #tpu.memory_space<vmem_shared>>
        %dma_start3A_144 = arith.constant 0 : i32
        %dma_start3A_145 = tpu.memref_slice %arg14[%arg1, %dma_start3A_144] : memref<16x528xf32, #tpu.memory_space<vmem_shared>> -> memref<1x528xf32, #tpu.memory_space<vmem_shared>>
        %dma_start3A_146 = tpu.memref_squeeze %dma_start3A_145 : memref<1x528xf32, #tpu.memory_space<vmem_shared>> -> memref<528xf32, #tpu.memory_space<vmem_shared>>
        tpu.enqueue_dma source(%arg12 : memref<528xf32, #tpu.memory_space<vmem>>) target(%dma_start3A_146 : memref<528xf32, #tpu.memory_space<vmem_shared>>) target_semaphore(%run_scoped3A : memref<!tpu.dma_semaphore, #tpu.memory_space<semaphore_mem>>)
        %dma_wait3A = arith.constant 0 : i32
        %dma_wait3A_147 = tpu.memref_slice %arg14[%arg1, %dma_wait3A] : memref<16x528xf32, #tpu.memory_space<vmem_shared>> -> memref<1x528xf32, #tpu.memory_space<vmem_shared>>
        %dma_wait3A_148 = tpu.memref_squeeze %dma_wait3A_147 : memref<1x528xf32, #tpu.memory_space<vmem_shared>> -> memref<528xf32, #tpu.memory_space<vmem_shared>>
        %dma_wait3A_149 = arith.constant 0 : i32
        %dma_wait3A_150 = tpu.memref_slice %arg14[%arg1, %dma_wait3A_149] : memref<16x528xf32, #tpu.memory_space<vmem_shared>> -> memref<1x528xf32, #tpu.memory_space<vmem_shared>>
        %dma_wait3A_151 = tpu.memref_squeeze %dma_wait3A_150 : memref<1x528xf32, #tpu.memory_space<vmem_shared>> -> memref<528xf32, #tpu.memory_space<vmem_shared>>
        tpu.wait_dma2 semaphore(%run_scoped3A : memref<!tpu.dma_semaphore, #tpu.memory_space<semaphore_mem>>) src(%arg12 : memref<528xf32, #tpu.memory_space<vmem>>) dst(%dma_wait3A_151 : memref<528xf32, #tpu.memory_space<vmem_shared>>)
        tpu.yield
      }) : () -> ()
      %barrier3A = arith.constant 0 : index
      tpu.barrier barrier_id(%barrier3A)
      "tpu.region"() ({
        %run_scoped3A = tpu.sem_alloc : memref<!tpu.dma_semaphore, #tpu.memory_space<semaphore_mem>>
        tpu.enqueue_dma source(%arg14 : memref<16x528xf32, #tpu.memory_space<vmem_shared>>) target(%arg11 : memref<16x528xf32, #tpu.memory_space<vmem>>) target_semaphore(%run_scoped3A : memref<!tpu.dma_semaphore, #tpu.memory_space<semaphore_mem>>)
        tpu.wait_dma2 semaphore(%run_scoped3A : memref<!tpu.dma_semaphore, #tpu.memory_space<semaphore_mem>>) src(%arg14 : memref<16x528xf32, #tpu.memory_space<vmem_shared>>) dst(%arg11 : memref<16x528xf32, #tpu.memory_space<vmem>>)
        tpu.yield
      }) : () -> ()
      %while3A_95 = arith.constant 0 : i32
      %while3A_96 = arith.subi %add3A_66, %select_n3A : i32
      %while3A_97 = arith.addi %select_n3A, %while3A_96 : i32
      %while3A_98 = arith.constant 1 : i32
      %while3A_99 = arith.divsi %while3A_96, %while3A_98 : i32
      %while3A_100 = arith.muli %while3A_99, %while3A_98 : i32
      %while3A_101 = arith.addi %select_n3A, %while3A_100 : i32
      %while3A_102 = arith.constant 1 : i32
      scf.for %while3A_142 = %select_n3A to %while3A_101 step %while3A_102  : i32 {
        %mul3A_143 = arith.constant 16 : i32
        %mul3A_144 = arith.muli %while3A_142, %mul3A_143 : i32
        %get3A_145 = arith.constant 0 : i32
        %get3A_146 = arith.index_cast %get3A_145 : i32 to index
        %get3A_147 = arith.index_cast %mul3A_144 : i32 to index
        %get3A_148 = tpu.vector_load %arg11[%get3A_146, %get3A_147] {strides = array<i32>} : memref<16x528xf32, #tpu.memory_space<vmem>>, vector<16xf32>,
        %get3A_149 = arith.constant 1 : i32
        %get3A_150 = arith.index_cast %get3A_149 : i32 to index
        %get3A_151 = arith.index_cast %mul3A_144 : i32 to index
        %get3A_152 = tpu.vector_load %arg11[%get3A_150, %get3A_151] {strides = array<i32>} : memref<16x528xf32, #tpu.memory_space<vmem>>, vector<16xf32>,
        %add3A_153 = arith.addf %get3A_148, %get3A_152 : vector<16xf32>
        %get3A_154 = arith.constant 2 : i32
        %get3A_155 = arith.index_cast %get3A_154 : i32 to index
        %get3A_156 = arith.index_cast %mul3A_144 : i32 to index
        %get3A_157 = tpu.vector_load %arg11[%get3A_155, %get3A_156] {strides = array<i32>} : memref<16x528xf32, #tpu.memory_space<vmem>>, vector<16xf32>,
        %add3A_158 = arith.addf %add3A_153, %get3A_157 : vector<16xf32>
        %get3A_159 = arith.constant 3 : i32
        %get3A_160 = arith.index_cast %get3A_159 : i32 to index
        %get3A_161 = arith.index_cast %mul3A_144 : i32 to index
        %get3A_162 = tpu.vector_load %arg11[%get3A_160, %get3A_161] {strides = array<i32>} : memref<16x528xf32, #tpu.memory_space<vmem>>, vector<16xf32>,
        %add3A_163 = arith.addf %add3A_158, %get3A_162 : vector<16xf32>
        %get3A_164 = arith.constant 4 : i32
        %get3A_165 = arith.index_cast %get3A_164 : i32 to index
        %get3A_166 = arith.index_cast %mul3A_144 : i32 to index
        %get3A_167 = tpu.vector_load %arg11[%get3A_165, %get3A_166] {strides = array<i32>} : memref<16x528xf32, #tpu.memory_space<vmem>>, vector<16xf32>,
        %add3A_168 = arith.addf %add3A_163, %get3A_167 : vector<16xf32>
        %get3A_169 = arith.constant 5 : i32
        %get3A_170 = arith.index_cast %get3A_169 : i32 to index
        %get3A_171 = arith.index_cast %mul3A_144 : i32 to index
        %get3A_172 = tpu.vector_load %arg11[%get3A_170, %get3A_171] {strides = array<i32>} : memref<16x528xf32, #tpu.memory_space<vmem>>, vector<16xf32>,
        %add3A_173 = arith.addf %add3A_168, %get3A_172 : vector<16xf32>
        %get3A_174 = arith.constant 6 : i32
        %get3A_175 = arith.index_cast %get3A_174 : i32 to index
        %get3A_176 = arith.index_cast %mul3A_144 : i32 to index
        %get3A_177 = tpu.vector_load %arg11[%get3A_175, %get3A_176] {strides = array<i32>} : memref<16x528xf32, #tpu.memory_space<vmem>>, vector<16xf32>,
        %add3A_178 = arith.addf %add3A_173, %get3A_177 : vector<16xf32>
        %get3A_179 = arith.constant 7 : i32
        %get3A_180 = arith.index_cast %get3A_179 : i32 to index
        %get3A_181 = arith.index_cast %mul3A_144 : i32 to index
        %get3A_182 = tpu.vector_load %arg11[%get3A_180, %get3A_181] {strides = array<i32>} : memref<16x528xf32, #tpu.memory_space<vmem>>, vector<16xf32>,
        %add3A_183 = arith.addf %add3A_178, %get3A_182 : vector<16xf32>
        %get3A_184 = arith.constant 8 : i32
        %get3A_185 = arith.index_cast %get3A_184 : i32 to index
        %get3A_186 = arith.index_cast %mul3A_144 : i32 to index
        %get3A_187 = tpu.vector_load %arg11[%get3A_185, %get3A_186] {strides = array<i32>} : memref<16x528xf32, #tpu.memory_space<vmem>>, vector<16xf32>,
        %add3A_188 = arith.addf %add3A_183, %get3A_187 : vector<16xf32>
        %get3A_189 = arith.constant 9 : i32
        %get3A_190 = arith.index_cast %get3A_189 : i32 to index
        %get3A_191 = arith.index_cast %mul3A_144 : i32 to index
        %get3A_192 = tpu.vector_load %arg11[%get3A_190, %get3A_191] {strides = array<i32>} : memref<16x528xf32, #tpu.memory_space<vmem>>, vector<16xf32>,
        %add3A_193 = arith.addf %add3A_188, %get3A_192 : vector<16xf32>
        %get3A_194 = arith.constant 10 : i32
        %get3A_195 = arith.index_cast %get3A_194 : i32 to index
        %get3A_196 = arith.index_cast %mul3A_144 : i32 to index
        %get3A_197 = tpu.vector_load %arg11[%get3A_195, %get3A_196] {strides = array<i32>} : memref<16x528xf32, #tpu.memory_space<vmem>>, vector<16xf32>,
        %add3A_198 = arith.addf %add3A_193, %get3A_197 : vector<16xf32>
        %get3A_199 = arith.constant 11 : i32
        %get3A_200 = arith.index_cast %get3A_199 : i32 to index
        %get3A_201 = arith.index_cast %mul3A_144 : i32 to index
        %get3A_202 = tpu.vector_load %arg11[%get3A_200, %get3A_201] {strides = array<i32>} : memref<16x528xf32, #tpu.memory_space<vmem>>, vector<16xf32>,
        %add3A_203 = arith.addf %add3A_198, %get3A_202 : vector<16xf32>
        %get3A_204 = arith.constant 12 : i32
        %get3A_205 = arith.index_cast %get3A_204 : i32 to index
        %get3A_206 = arith.index_cast %mul3A_144 : i32 to index
        %get3A_207 = tpu.vector_load %arg11[%get3A_205, %get3A_206] {strides = array<i32>} : memref<16x528xf32, #tpu.memory_space<vmem>>, vector<16xf32>,
        %add3A_208 = arith.addf %add3A_203, %get3A_207 : vector<16xf32>
        %get3A_209 = arith.constant 13 : i32
        %get3A_210 = arith.index_cast %get3A_209 : i32 to index
        %get3A_211 = arith.index_cast %mul3A_144 : i32 to index
        %get3A_212 = tpu.vector_load %arg11[%get3A_210, %get3A_211] {strides = array<i32>} : memref<16x528xf32, #tpu.memory_space<vmem>>, vector<16xf32>,
        %add3A_213 = arith.addf %add3A_208, %get3A_212 : vector<16xf32>
        %get3A_214 = arith.constant 14 : i32
        %get3A_215 = arith.index_cast %get3A_214 : i32 to index
        %get3A_216 = arith.index_cast %mul3A_144 : i32 to index
        %get3A_217 = tpu.vector_load %arg11[%get3A_215, %get3A_216] {strides = array<i32>} : memref<16x528xf32, #tpu.memory_space<vmem>>, vector<16xf32>,
        %add3A_218 = arith.addf %add3A_213, %get3A_217 : vector<16xf32>
        %get3A_219 = arith.constant 15 : i32
        %get3A_220 = arith.index_cast %get3A_219 : i32 to index
        %get3A_221 = arith.index_cast %mul3A_144 : i32 to index
        %get3A_222 = tpu.vector_load %arg11[%get3A_220, %get3A_221] {strides = array<i32>} : memref<16x528xf32, #tpu.memory_space<vmem>>, vector<16xf32>,
        %add3A_223 = arith.addf %add3A_218, %get3A_222 : vector<16xf32>
        %swap3A = arith.index_cast %mul3A_144 : i32 to index
        %swap3A_224 = tpu.vector_load %arg12[%swap3A] {strides = array<i32>} : memref<528xf32, #tpu.memory_space<vmem>>, vector<16xf32>,
        tpu.vector_store %arg12[%swap3A], %add3A_223 {strides = array<i32>} : memref<528xf32, #tpu.memory_space<vmem>>, vector<16xf32>,
      }
      %while3A_103 = arith.constant 1 : i32
      scf.for %while3A_142 = %while3A_101 to %while3A_97 step %while3A_103  : i32 {
        %mul3A_143 = arith.constant 16 : i32
        %mul3A_144 = arith.muli %while3A_142, %mul3A_143 : i32
        %get3A_145 = arith.constant 0 : i32
        %get3A_146 = arith.index_cast %get3A_145 : i32 to index
        %get3A_147 = arith.index_cast %mul3A_144 : i32 to index
        %get3A_148 = tpu.vector_load %arg11[%get3A_146, %get3A_147] {strides = array<i32>} : memref<16x528xf32, #tpu.memory_space<vmem>>, vector<16xf32>,
        %get3A_149 = arith.constant 1 : i32
        %get3A_150 = arith.index_cast %get3A_149 : i32 to index
        %get3A_151 = arith.index_cast %mul3A_144 : i32 to index
        %get3A_152 = tpu.vector_load %arg11[%get3A_150, %get3A_151] {strides = array<i32>} : memref<16x528xf32, #tpu.memory_space<vmem>>, vector<16xf32>,
        %add3A_153 = arith.addf %get3A_148, %get3A_152 : vector<16xf32>
        %get3A_154 = arith.constant 2 : i32
        %get3A_155 = arith.index_cast %get3A_154 : i32 to index
        %get3A_156 = arith.index_cast %mul3A_144 : i32 to index
        %get3A_157 = tpu.vector_load %arg11[%get3A_155, %get3A_156] {strides = array<i32>} : memref<16x528xf32, #tpu.memory_space<vmem>>, vector<16xf32>,
        %add3A_158 = arith.addf %add3A_153, %get3A_157 : vector<16xf32>
        %get3A_159 = arith.constant 3 : i32
        %get3A_160 = arith.index_cast %get3A_159 : i32 to index
        %get3A_161 = arith.index_cast %mul3A_144 : i32 to index
        %get3A_162 = tpu.vector_load %arg11[%get3A_160, %get3A_161] {strides = array<i32>} : memref<16x528xf32, #tpu.memory_space<vmem>>, vector<16xf32>,
        %add3A_163 = arith.addf %add3A_158, %get3A_162 : vector<16xf32>
        %get3A_164 = arith.constant 4 : i32
        %get3A_165 = arith.index_cast %get3A_164 : i32 to index
        %get3A_166 = arith.index_cast %mul3A_144 : i32 to index
        %get3A_167 = tpu.vector_load %arg11[%get3A_165, %get3A_166] {strides = array<i32>} : memref<16x528xf32, #tpu.memory_space<vmem>>, vector<16xf32>,
        %add3A_168 = arith.addf %add3A_163, %get3A_167 : vector<16xf32>
        %get3A_169 = arith.constant 5 : i32
        %get3A_170 = arith.index_cast %get3A_169 : i32 to index
        %get3A_171 = arith.index_cast %mul3A_144 : i32 to index
        %get3A_172 = tpu.vector_load %arg11[%get3A_170, %get3A_171] {strides = array<i32>} : memref<16x528xf32, #tpu.memory_space<vmem>>, vector<16xf32>,
        %add3A_173 = arith.addf %add3A_168, %get3A_172 : vector<16xf32>
        %get3A_174 = arith.constant 6 : i32
        %get3A_175 = arith.index_cast %get3A_174 : i32 to index
        %get3A_176 = arith.index_cast %mul3A_144 : i32 to index
        %get3A_177 = tpu.vector_load %arg11[%get3A_175, %get3A_176] {strides = array<i32>} : memref<16x528xf32, #tpu.memory_space<vmem>>, vector<16xf32>,
        %add3A_178 = arith.addf %add3A_173, %get3A_177 : vector<16xf32>
        %get3A_179 = arith.constant 7 : i32
        %get3A_180 = arith.index_cast %get3A_179 : i32 to index
        %get3A_181 = arith.index_cast %mul3A_144 : i32 to index
        %get3A_182 = tpu.vector_load %arg11[%get3A_180, %get3A_181] {strides = array<i32>} : memref<16x528xf32, #tpu.memory_space<vmem>>, vector<16xf32>,
        %add3A_183 = arith.addf %add3A_178, %get3A_182 : vector<16xf32>
        %get3A_184 = arith.constant 8 : i32
        %get3A_185 = arith.index_cast %get3A_184 : i32 to index
        %get3A_186 = arith.index_cast %mul3A_144 : i32 to index
        %get3A_187 = tpu.vector_load %arg11[%get3A_185, %get3A_186] {strides = array<i32>} : memref<16x528xf32, #tpu.memory_space<vmem>>, vector<16xf32>,
        %add3A_188 = arith.addf %add3A_183, %get3A_187 : vector<16xf32>
        %get3A_189 = arith.constant 9 : i32
        %get3A_190 = arith.index_cast %get3A_189 : i32 to index
        %get3A_191 = arith.index_cast %mul3A_144 : i32 to index
        %get3A_192 = tpu.vector_load %arg11[%get3A_190, %get3A_191] {strides = array<i32>} : memref<16x528xf32, #tpu.memory_space<vmem>>, vector<16xf32>,
        %add3A_193 = arith.addf %add3A_188, %get3A_192 : vector<16xf32>
        %get3A_194 = arith.constant 10 : i32
        %get3A_195 = arith.index_cast %get3A_194 : i32 to index
        %get3A_196 = arith.index_cast %mul3A_144 : i32 to index
        %get3A_197 = tpu.vector_load %arg11[%get3A_195, %get3A_196] {strides = array<i32>} : memref<16x528xf32, #tpu.memory_space<vmem>>, vector<16xf32>,
        %add3A_198 = arith.addf %add3A_193, %get3A_197 : vector<16xf32>
        %get3A_199 = arith.constant 11 : i32
        %get3A_200 = arith.index_cast %get3A_199 : i32 to index
        %get3A_201 = arith.index_cast %mul3A_144 : i32 to index
        %get3A_202 = tpu.vector_load %arg11[%get3A_200, %get3A_201] {strides = array<i32>} : memref<16x528xf32, #tpu.memory_space<vmem>>, vector<16xf32>,
        %add3A_203 = arith.addf %add3A_198, %get3A_202 : vector<16xf32>
        %get3A_204 = arith.constant 12 : i32
        %get3A_205 = arith.index_cast %get3A_204 : i32 to index
        %get3A_206 = arith.index_cast %mul3A_144 : i32 to index
        %get3A_207 = tpu.vector_load %arg11[%get3A_205, %get3A_206] {strides = array<i32>} : memref<16x528xf32, #tpu.memory_space<vmem>>, vector<16xf32>,
        %add3A_208 = arith.addf %add3A_203, %get3A_207 : vector<16xf32>
        %get3A_209 = arith.constant 13 : i32
        %get3A_210 = arith.index_cast %get3A_209 : i32 to index
        %get3A_211 = arith.index_cast %mul3A_144 : i32 to index
        %get3A_212 = tpu.vector_load %arg11[%get3A_210, %get3A_211] {strides = array<i32>} : memref<16x528xf32, #tpu.memory_space<vmem>>, vector<16xf32>,
        %add3A_213 = arith.addf %add3A_208, %get3A_212 : vector<16xf32>
        %get3A_214 = arith.constant 14 : i32
        %get3A_215 = arith.index_cast %get3A_214 : i32 to index
        %get3A_216 = arith.index_cast %mul3A_144 : i32 to index
        %get3A_217 = tpu.vector_load %arg11[%get3A_215, %get3A_216] {strides = array<i32>} : memref<16x528xf32, #tpu.memory_space<vmem>>, vector<16xf32>,
        %add3A_218 = arith.addf %add3A_213, %get3A_217 : vector<16xf32>
        %get3A_219 = arith.constant 15 : i32
        %get3A_220 = arith.index_cast %get3A_219 : i32 to index
        %get3A_221 = arith.index_cast %mul3A_144 : i32 to index
        %get3A_222 = tpu.vector_load %arg11[%get3A_220, %get3A_221] {strides = array<i32>} : memref<16x528xf32, #tpu.memory_space<vmem>>, vector<16xf32>,
        %add3A_223 = arith.addf %add3A_218, %get3A_222 : vector<16xf32>
        %swap3A = arith.index_cast %mul3A_144 : i32 to index
        %swap3A_224 = tpu.vector_load %arg12[%swap3A] {strides = array<i32>} : memref<528xf32, #tpu.memory_space<vmem>>, vector<16xf32>,
        tpu.vector_store %arg12[%swap3A], %add3A_223 {strides = array<i32>} : memref<528xf32, #tpu.memory_space<vmem>>, vector<16xf32>,
      }
      %mul3A_104 = arith.constant 2 : i32
      %mul3A_105 = arith.muli %arg1, %mul3A_104 : i32
      %add3A_106 = arith.constant 1 : i32
      %add3A_107 = arith.addi %arg1, %add3A_106 : i32
      %mul3A_108 = arith.constant 2 : i32
      %mul3A_109 = arith.muli %add3A_107, %mul3A_108 : i32
      %while3A_110 = arith.constant 0 : i32
      %while3A_111 = arith.subi %mul3A_109, %mul3A_105 : i32
      %while3A_112 = arith.addi %mul3A_105, %while3A_111 : i32
      %while3A_113 = arith.constant 1 : i32
      %while3A_114 = arith.divsi %while3A_111, %while3A_113 : i32
      %while3A_115 = arith.muli %while3A_114, %while3A_113 : i32
      %while3A_116 = arith.addi %mul3A_105, %while3A_115 : i32
      %while3A_117 = arith.constant 1 : i32
      scf.for %while3A_142 = %mul3A_105 to %while3A_116 step %while3A_117  : i32 {
        %mul3A_143 = arith.constant 16 : i32
        %mul3A_144 = arith.muli %while3A_142, %mul3A_143 : i32
        %get3A_145 = arith.constant 0 : i32
        %get3A_146 = arith.index_cast %get3A_145 : i32 to index
        %get3A_147 = arith.index_cast %mul3A_144 : i32 to index
        %get3A_148 = tpu.vector_load %arg11[%get3A_146, %get3A_147] {strides = array<i32>} : memref<16x528xf32, #tpu.memory_space<vmem>>, vector<16xf32>,
        %get3A_149 = arith.constant 1 : i32
        %get3A_150 = arith.index_cast %get3A_149 : i32 to index
        %get3A_151 = arith.index_cast %mul3A_144 : i32 to index
        %get3A_152 = tpu.vector_load %arg11[%get3A_150, %get3A_151] {strides = array<i32>} : memref<16x528xf32, #tpu.memory_space<vmem>>, vector<16xf32>,
        %add3A_153 = arith.addf %get3A_148, %get3A_152 : vector<16xf32>
        %get3A_154 = arith.constant 2 : i32
        %get3A_155 = arith.index_cast %get3A_154 : i32 to index
        %get3A_156 = arith.index_cast %mul3A_144 : i32 to index
        %get3A_157 = tpu.vector_load %arg11[%get3A_155, %get3A_156] {strides = array<i32>} : memref<16x528xf32, #tpu.memory_space<vmem>>, vector<16xf32>,
        %add3A_158 = arith.addf %add3A_153, %get3A_157 : vector<16xf32>
        %get3A_159 = arith.constant 3 : i32
        %get3A_160 = arith.index_cast %get3A_159 : i32 to index
        %get3A_161 = arith.index_cast %mul3A_144 : i32 to index
        %get3A_162 = tpu.vector_load %arg11[%get3A_160, %get3A_161] {strides = array<i32>} : memref<16x528xf32, #tpu.memory_space<vmem>>, vector<16xf32>,
        %add3A_163 = arith.addf %add3A_158, %get3A_162 : vector<16xf32>
        %get3A_164 = arith.constant 4 : i32
        %get3A_165 = arith.index_cast %get3A_164 : i32 to index
        %get3A_166 = arith.index_cast %mul3A_144 : i32 to index
        %get3A_167 = tpu.vector_load %arg11[%get3A_165, %get3A_166] {strides = array<i32>} : memref<16x528xf32, #tpu.memory_space<vmem>>, vector<16xf32>,
        %add3A_168 = arith.addf %add3A_163, %get3A_167 : vector<16xf32>
        %get3A_169 = arith.constant 5 : i32
        %get3A_170 = arith.index_cast %get3A_169 : i32 to index
        %get3A_171 = arith.index_cast %mul3A_144 : i32 to index
        %get3A_172 = tpu.vector_load %arg11[%get3A_170, %get3A_171] {strides = array<i32>} : memref<16x528xf32, #tpu.memory_space<vmem>>, vector<16xf32>,
        %add3A_173 = arith.addf %add3A_168, %get3A_172 : vector<16xf32>
        %get3A_174 = arith.constant 6 : i32
        %get3A_175 = arith.index_cast %get3A_174 : i32 to index
        %get3A_176 = arith.index_cast %mul3A_144 : i32 to index
        %get3A_177 = tpu.vector_load %arg11[%get3A_175, %get3A_176] {strides = array<i32>} : memref<16x528xf32, #tpu.memory_space<vmem>>, vector<16xf32>,
        %add3A_178 = arith.addf %add3A_173, %get3A_177 : vector<16xf32>
        %get3A_179 = arith.constant 7 : i32
        %get3A_180 = arith.index_cast %get3A_179 : i32 to index
        %get3A_181 = arith.index_cast %mul3A_144 : i32 to index
        %get3A_182 = tpu.vector_load %arg11[%get3A_180, %get3A_181] {strides = array<i32>} : memref<16x528xf32, #tpu.memory_space<vmem>>, vector<16xf32>,
        %add3A_183 = arith.addf %add3A_178, %get3A_182 : vector<16xf32>
        %get3A_184 = arith.constant 8 : i32
        %get3A_185 = arith.index_cast %get3A_184 : i32 to index
        %get3A_186 = arith.index_cast %mul3A_144 : i32 to index
        %get3A_187 = tpu.vector_load %arg11[%get3A_185, %get3A_186] {strides = array<i32>} : memref<16x528xf32, #tpu.memory_space<vmem>>, vector<16xf32>,
        %add3A_188 = arith.addf %add3A_183, %get3A_187 : vector<16xf32>
        %get3A_189 = arith.constant 9 : i32
        %get3A_190 = arith.index_cast %get3A_189 : i32 to index
        %get3A_191 = arith.index_cast %mul3A_144 : i32 to index
        %get3A_192 = tpu.vector_load %arg11[%get3A_190, %get3A_191] {strides = array<i32>} : memref<16x528xf32, #tpu.memory_space<vmem>>, vector<16xf32>,
        %add3A_193 = arith.addf %add3A_188, %get3A_192 : vector<16xf32>
        %get3A_194 = arith.constant 10 : i32
        %get3A_195 = arith.index_cast %get3A_194 : i32 to index
        %get3A_196 = arith.index_cast %mul3A_144 : i32 to index
        %get3A_197 = tpu.vector_load %arg11[%get3A_195, %get3A_196] {strides = array<i32>} : memref<16x528xf32, #tpu.memory_space<vmem>>, vector<16xf32>,
        %add3A_198 = arith.addf %add3A_193, %get3A_197 : vector<16xf32>
        %get3A_199 = arith.constant 11 : i32
        %get3A_200 = arith.index_cast %get3A_199 : i32 to index
        %get3A_201 = arith.index_cast %mul3A_144 : i32 to index
        %get3A_202 = tpu.vector_load %arg11[%get3A_200, %get3A_201] {strides = array<i32>} : memref<16x528xf32, #tpu.memory_space<vmem>>, vector<16xf32>,
        %add3A_203 = arith.addf %add3A_198, %get3A_202 : vector<16xf32>
        %get3A_204 = arith.constant 12 : i32
        %get3A_205 = arith.index_cast %get3A_204 : i32 to index
        %get3A_206 = arith.index_cast %mul3A_144 : i32 to index
        %get3A_207 = tpu.vector_load %arg11[%get3A_205, %get3A_206] {strides = array<i32>} : memref<16x528xf32, #tpu.memory_space<vmem>>, vector<16xf32>,
        %add3A_208 = arith.addf %add3A_203, %get3A_207 : vector<16xf32>
        %get3A_209 = arith.constant 13 : i32
        %get3A_210 = arith.index_cast %get3A_209 : i32 to index
        %get3A_211 = arith.index_cast %mul3A_144 : i32 to index
        %get3A_212 = tpu.vector_load %arg11[%get3A_210, %get3A_211] {strides = array<i32>} : memref<16x528xf32, #tpu.memory_space<vmem>>, vector<16xf32>,
        %add3A_213 = arith.addf %add3A_208, %get3A_212 : vector<16xf32>
        %get3A_214 = arith.constant 14 : i32
        %get3A_215 = arith.index_cast %get3A_214 : i32 to index
        %get3A_216 = arith.index_cast %mul3A_144 : i32 to index
        %get3A_217 = tpu.vector_load %arg11[%get3A_215, %get3A_216] {strides = array<i32>} : memref<16x528xf32, #tpu.memory_space<vmem>>, vector<16xf32>,
        %add3A_218 = arith.addf %add3A_213, %get3A_217 : vector<16xf32>
        %get3A_219 = arith.constant 15 : i32
        %get3A_220 = arith.index_cast %get3A_219 : i32 to index
        %get3A_221 = arith.index_cast %mul3A_144 : i32 to index
        %get3A_222 = tpu.vector_load %arg11[%get3A_220, %get3A_221] {strides = array<i32>} : memref<16x528xf32, #tpu.memory_space<vmem>>, vector<16xf32>,
        %add3A_223 = arith.addf %add3A_218, %get3A_222 : vector<16xf32>
        %swap3A = arith.index_cast %mul3A_144 : i32 to index
        %swap3A_224 = tpu.vector_load %arg12[%swap3A] {strides = array<i32>} : memref<528xf32, #tpu.memory_space<vmem>>, vector<16xf32>,
        tpu.vector_store %arg12[%swap3A], %add3A_223 {strides = array<i32>} : memref<528xf32, #tpu.memory_space<vmem>>, vector<16xf32>,
      }
      %while3A_118 = arith.constant 1 : i32
      scf.for %while3A_142 = %while3A_116 to %while3A_112 step %while3A_118  : i32 {
        %mul3A_143 = arith.constant 16 : i32
        %mul3A_144 = arith.muli %while3A_142, %mul3A_143 : i32
        %get3A_145 = arith.constant 0 : i32
        %get3A_146 = arith.index_cast %get3A_145 : i32 to index
        %get3A_147 = arith.index_cast %mul3A_144 : i32 to index
        %get3A_148 = tpu.vector_load %arg11[%get3A_146, %get3A_147] {strides = array<i32>} : memref<16x528xf32, #tpu.memory_space<vmem>>, vector<16xf32>,
        %get3A_149 = arith.constant 1 : i32
        %get3A_150 = arith.index_cast %get3A_149 : i32 to index
        %get3A_151 = arith.index_cast %mul3A_144 : i32 to index
        %get3A_152 = tpu.vector_load %arg11[%get3A_150, %get3A_151] {strides = array<i32>} : memref<16x528xf32, #tpu.memory_space<vmem>>, vector<16xf32>,
        %add3A_153 = arith.addf %get3A_148, %get3A_152 : vector<16xf32>
        %get3A_154 = arith.constant 2 : i32
        %get3A_155 = arith.index_cast %get3A_154 : i32 to index
        %get3A_156 = arith.index_cast %mul3A_144 : i32 to index
        %get3A_157 = tpu.vector_load %arg11[%get3A_155, %get3A_156] {strides = array<i32>} : memref<16x528xf32, #tpu.memory_space<vmem>>, vector<16xf32>,
        %add3A_158 = arith.addf %add3A_153, %get3A_157 : vector<16xf32>
        %get3A_159 = arith.constant 3 : i32
        %get3A_160 = arith.index_cast %get3A_159 : i32 to index
        %get3A_161 = arith.index_cast %mul3A_144 : i32 to index
        %get3A_162 = tpu.vector_load %arg11[%get3A_160, %get3A_161] {strides = array<i32>} : memref<16x528xf32, #tpu.memory_space<vmem>>, vector<16xf32>,
        %add3A_163 = arith.addf %add3A_158, %get3A_162 : vector<16xf32>
        %get3A_164 = arith.constant 4 : i32
        %get3A_165 = arith.index_cast %get3A_164 : i32 to index
        %get3A_166 = arith.index_cast %mul3A_144 : i32 to index
        %get3A_167 = tpu.vector_load %arg11[%get3A_165, %get3A_166] {strides = array<i32>} : memref<16x528xf32, #tpu.memory_space<vmem>>, vector<16xf32>,
        %add3A_168 = arith.addf %add3A_163, %get3A_167 : vector<16xf32>
        %get3A_169 = arith.constant 5 : i32
        %get3A_170 = arith.index_cast %get3A_169 : i32 to index
        %get3A_171 = arith.index_cast %mul3A_144 : i32 to index
        %get3A_172 = tpu.vector_load %arg11[%get3A_170, %get3A_171] {strides = array<i32>} : memref<16x528xf32, #tpu.memory_space<vmem>>, vector<16xf32>,
        %add3A_173 = arith.addf %add3A_168, %get3A_172 : vector<16xf32>
        %get3A_174 = arith.constant 6 : i32
        %get3A_175 = arith.index_cast %get3A_174 : i32 to index
        %get3A_176 = arith.index_cast %mul3A_144 : i32 to index
        %get3A_177 = tpu.vector_load %arg11[%get3A_175, %get3A_176] {strides = array<i32>} : memref<16x528xf32, #tpu.memory_space<vmem>>, vector<16xf32>,
        %add3A_178 = arith.addf %add3A_173, %get3A_177 : vector<16xf32>
        %get3A_179 = arith.constant 7 : i32
        %get3A_180 = arith.index_cast %get3A_179 : i32 to index
        %get3A_181 = arith.index_cast %mul3A_144 : i32 to index
        %get3A_182 = tpu.vector_load %arg11[%get3A_180, %get3A_181] {strides = array<i32>} : memref<16x528xf32, #tpu.memory_space<vmem>>, vector<16xf32>,
        %add3A_183 = arith.addf %add3A_178, %get3A_182 : vector<16xf32>
        %get3A_184 = arith.constant 8 : i32
        %get3A_185 = arith.index_cast %get3A_184 : i32 to index
        %get3A_186 = arith.index_cast %mul3A_144 : i32 to index
        %get3A_187 = tpu.vector_load %arg11[%get3A_185, %get3A_186] {strides = array<i32>} : memref<16x528xf32, #tpu.memory_space<vmem>>, vector<16xf32>,
        %add3A_188 = arith.addf %add3A_183, %get3A_187 : vector<16xf32>
        %get3A_189 = arith.constant 9 : i32
        %get3A_190 = arith.index_cast %get3A_189 : i32 to index
        %get3A_191 = arith.index_cast %mul3A_144 : i32 to index
        %get3A_192 = tpu.vector_load %arg11[%get3A_190, %get3A_191] {strides = array<i32>} : memref<16x528xf32, #tpu.memory_space<vmem>>, vector<16xf32>,
        %add3A_193 = arith.addf %add3A_188, %get3A_192 : vector<16xf32>
        %get3A_194 = arith.constant 10 : i32
        %get3A_195 = arith.index_cast %get3A_194 : i32 to index
        %get3A_196 = arith.index_cast %mul3A_144 : i32 to index
        %get3A_197 = tpu.vector_load %arg11[%get3A_195, %get3A_196] {strides = array<i32>} : memref<16x528xf32, #tpu.memory_space<vmem>>, vector<16xf32>,
        %add3A_198 = arith.addf %add3A_193, %get3A_197 : vector<16xf32>
        %get3A_199 = arith.constant 11 : i32
        %get3A_200 = arith.index_cast %get3A_199 : i32 to index
        %get3A_201 = arith.index_cast %mul3A_144 : i32 to index
        %get3A_202 = tpu.vector_load %arg11[%get3A_200, %get3A_201] {strides = array<i32>} : memref<16x528xf32, #tpu.memory_space<vmem>>, vector<16xf32>,
        %add3A_203 = arith.addf %add3A_198, %get3A_202 : vector<16xf32>
        %get3A_204 = arith.constant 12 : i32
        %get3A_205 = arith.index_cast %get3A_204 : i32 to index
        %get3A_206 = arith.index_cast %mul3A_144 : i32 to index
        %get3A_207 = tpu.vector_load %arg11[%get3A_205, %get3A_206] {strides = array<i32>} : memref<16x528xf32, #tpu.memory_space<vmem>>, vector<16xf32>,
        %add3A_208 = arith.addf %add3A_203, %get3A_207 : vector<16xf32>
        %get3A_209 = arith.constant 13 : i32
        %get3A_210 = arith.index_cast %get3A_209 : i32 to index
        %get3A_211 = arith.index_cast %mul3A_144 : i32 to index
        %get3A_212 = tpu.vector_load %arg11[%get3A_210, %get3A_211] {strides = array<i32>} : memref<16x528xf32, #tpu.memory_space<vmem>>, vector<16xf32>,
        %add3A_213 = arith.addf %add3A_208, %get3A_212 : vector<16xf32>
        %get3A_214 = arith.constant 14 : i32
        %get3A_215 = arith.index_cast %get3A_214 : i32 to index
        %get3A_216 = arith.index_cast %mul3A_144 : i32 to index
        %get3A_217 = tpu.vector_load %arg11[%get3A_215, %get3A_216] {strides = array<i32>} : memref<16x528xf32, #tpu.memory_space<vmem>>, vector<16xf32>,
        %add3A_218 = arith.addf %add3A_213, %get3A_217 : vector<16xf32>
        %get3A_219 = arith.constant 15 : i32
        %get3A_220 = arith.index_cast %get3A_219 : i32 to index
        %get3A_221 = arith.index_cast %mul3A_144 : i32 to index
        %get3A_222 = tpu.vector_load %arg11[%get3A_220, %get3A_221] {strides = array<i32>} : memref<16x528xf32, #tpu.memory_space<vmem>>, vector<16xf32>,
        %add3A_223 = arith.addf %add3A_218, %get3A_222 : vector<16xf32>
        %swap3A = arith.index_cast %mul3A_144 : i32 to index
        %swap3A_224 = tpu.vector_load %arg12[%swap3A] {strides = array<i32>} : memref<528xf32, #tpu.memory_space<vmem>>, vector<16xf32>,
        tpu.vector_store %arg12[%swap3A], %add3A_223 {strides = array<i32>} : memref<528xf32, #tpu.memory_space<vmem>>, vector<16xf32>,
      }
      %scan3A_119 = arith.constant 0 : i32
      %scan3A_120 = arith.constant 0 : i32
      %scan3A_121 = arith.constant 104 : i32
      %scan3A_122 = arith.addi %scan3A_120, %scan3A_121 : i32
      %scan3A_123 = arith.constant 1 : i32
      scf.for %scan3A_142 = %scan3A_120 to %scan3A_122 step %scan3A_123  : i32 {
        %mul3A_143 = arith.constant 32 : i32
        %mul3A_144 = arith.muli %scan3A_142, %mul3A_143 : i32
        %add3A_145 = arith.constant 0 : i32
        %add3A_146 = arith.addi %mul3A_144, %add3A_145 : i32
        %multiple_of3A = tpu.assume_multiple %add3A_146, 16 : i32
        %get3A_147 = arith.index_cast %multiple_of3A : i32 to index
        %get3A_148 = tpu.vector_load %arg7[%get3A_147] {strides = array<i32>} : memref<3328xf32, #tpu.memory_space<vmem>>, vector<16xf32>,
        %get3A_149 = arith.index_cast %multiple_of3A : i32 to index
        %get3A_150 = tpu.vector_load %arg8[%get3A_149] {strides = array<i32>} : memref<3328xi32, #tpu.memory_space<vmem>>, vector<16xi32>,
        %gather3A = tpu.vector_load_idx %arg12[%get3A_150] : memref<528xf32, #tpu.memory_space<vmem>>[vector<16xi32>], vector<16xf32>,
        %ge3A = arith.constant 512 : i32
        %ge3A_151 = vector.broadcast %ge3A : i32 to vector<16xi32>
        %ge3A_152 = arith.cmpi sge, %get3A_150, %ge3A_151 : vector<16xi32>
        %div3A_153 = arith.divf %get3A_148, %gather3A : vector<16xf32>
        %jit3A_154 = arith.constant 0.000000e+00 : f32
        %broadcast_in_dim3A_155 = vector.broadcast %jit3A_154 : f32 to vector<16xf32>
        %select_n3A_156 = arith.select %ge3A_152, %broadcast_in_dim3A_155, %div3A_153 : vector<16xi1>, vector<16xf32>
        %swap3A = arith.index_cast %multiple_of3A : i32 to index
        %swap3A_157 = tpu.vector_load %arg7[%swap3A] {strides = array<i32>} : memref<3328xf32, #tpu.memory_space<vmem>>, vector<16xf32>,
        tpu.vector_store %arg7[%swap3A], %select_n3A_156 {strides = array<i32>} : memref<3328xf32, #tpu.memory_space<vmem>>, vector<16xf32>,
        %mul3A_158 = arith.constant 32 : i32
        %mul3A_159 = arith.muli %scan3A_142, %mul3A_158 : i32
        %add3A_160 = arith.constant 16 : i32
        %add3A_161 = arith.addi %mul3A_159, %add3A_160 : i32
        %multiple_of3A_162 = tpu.assume_multiple %add3A_161, 16 : i32
        %get3A_163 = arith.index_cast %multiple_of3A_162 : i32 to index
        %get3A_164 = tpu.vector_load %arg7[%get3A_163] {strides = array<i32>} : memref<3328xf32, #tpu.memory_space<vmem>>, vector<16xf32>,
        %get3A_165 = arith.index_cast %multiple_of3A_162 : i32 to index
        %get3A_166 = tpu.vector_load %arg8[%get3A_165] {strides = array<i32>} : memref<3328xi32, #tpu.memory_space<vmem>>, vector<16xi32>,
        %gather3A_167 = tpu.vector_load_idx %arg12[%get3A_166] : memref<528xf32, #tpu.memory_space<vmem>>[vector<16xi32>], vector<16xf32>,
        %ge3A_168 = arith.constant 512 : i32
        %ge3A_169 = vector.broadcast %ge3A_168 : i32 to vector<16xi32>
        %ge3A_170 = arith.cmpi sge, %get3A_166, %ge3A_169 : vector<16xi32>
        %div3A_171 = arith.divf %get3A_164, %gather3A_167 : vector<16xf32>
        %jit3A_172 = arith.constant 0.000000e+00 : f32
        %broadcast_in_dim3A_173 = vector.broadcast %jit3A_172 : f32 to vector<16xf32>
        %select_n3A_174 = arith.select %ge3A_170, %broadcast_in_dim3A_173, %div3A_171 : vector<16xi1>, vector<16xf32>
        %swap3A_175 = arith.index_cast %multiple_of3A_162 : i32 to index
        %swap3A_176 = tpu.vector_load %arg7[%swap3A_175] {strides = array<i32>} : memref<3328xf32, #tpu.memory_space<vmem>>, vector<16xf32>,
        tpu.vector_store %arg7[%swap3A_175], %select_n3A_174 {strides = array<i32>} : memref<3328xf32, #tpu.memory_space<vmem>>, vector<16xf32>,
      }
      %scan3A_124 = arith.constant 104 : i32
      %lt3A = arith.constant 15 : i32
      %lt3A_125 = arith.cmpi slt, %arg1, %lt3A : i32
      %convert_element_type3A_126 = arith.extui %lt3A_125 : i1 to i32
      %cond3A_127 = arith.constant 0 : i32
      %cond3A_128 = arith.cmpi ne, %convert_element_type3A_126, %cond3A_127 : i32
      scf.if %cond3A_128 {
        "tpu.region"() ({
          %run_scoped3A = tpu.sem_alloc : memref<!tpu.dma_semaphore, #tpu.memory_space<semaphore_mem>>
          %dma_start3A = tpu.memref_slice %arg5[%mul3A_2] : memref<50000xf32, #tpu.memory_space<hbm>> -> memref<3328xf32, #tpu.memory_space<hbm>>
          %dma_start3A_142 = tpu.memref_slice %arg5[%mul3A_2] : memref<50000xf32, #tpu.memory_space<hbm>> -> memref<3328xf32, #tpu.memory_space<hbm>>
          tpu.enqueue_dma source(%arg7 : memref<3328xf32, #tpu.memory_space<vmem>>) target(%dma_start3A_142 : memref<3328xf32, #tpu.memory_space<hbm>>) target_semaphore(%run_scoped3A : memref<!tpu.dma_semaphore, #tpu.memory_space<semaphore_mem>>)
          %dma_wait3A = tpu.memref_slice %arg5[%mul3A_2] : memref<50000xf32, #tpu.memory_space<hbm>> -> memref<3328xf32, #tpu.memory_space<hbm>>
          %dma_wait3A_143 = tpu.memref_slice %arg5[%mul3A_2] : memref<50000xf32, #tpu.memory_space<hbm>> -> memref<3328xf32, #tpu.memory_space<hbm>>
          tpu.wait_dma2 semaphore(%run_scoped3A : memref<!tpu.dma_semaphore, #tpu.memory_space<semaphore_mem>>) src(%arg7 : memref<3328xf32, #tpu.memory_space<vmem>>) dst(%dma_wait3A_143 : memref<3328xf32, #tpu.memory_space<hbm>>)
          tpu.yield
        }) : () -> ()
      } else {
      }
      %eq3A_129 = arith.constant 15 : i32
      %eq3A_130 = arith.cmpi eq, %arg1, %eq3A_129 : i32
      %convert_element_type3A_131 = arith.extui %eq3A_130 : i1 to i32
      %cond3A_132 = arith.constant 0 : i32
      %cond3A_133 = arith.cmpi ne, %convert_element_type3A_131, %cond3A_132 : i32
      scf.if %cond3A_133 {
        "tpu.region"() ({
          %run_scoped3A = tpu.sem_alloc : memref<!tpu.dma_semaphore, #tpu.memory_space<semaphore_mem>>
          %dma_start3A = arith.constant 0 : i32
          %dma_start3A_142 = tpu.memref_slice %arg7[%dma_start3A] : memref<3328xf32, #tpu.memory_space<vmem>> -> memref<80xf32, #tpu.memory_space<vmem>>
          %dma_start3A_143 = tpu.memref_slice %arg5[%mul3A_2] : memref<50000xf32, #tpu.memory_space<hbm>> -> memref<80xf32, #tpu.memory_space<hbm>>
          %dma_start3A_144 = tpu.memref_slice %arg5[%mul3A_2] : memref<50000xf32, #tpu.memory_space<hbm>> -> memref<80xf32, #tpu.memory_space<hbm>>
          %dma_start3A_145 = arith.constant 0 : i32
          %dma_start3A_146 = tpu.memref_slice %arg7[%dma_start3A_145] : memref<3328xf32, #tpu.memory_space<vmem>> -> memref<80xf32, #tpu.memory_space<vmem>>
          tpu.enqueue_dma source(%dma_start3A_146 : memref<80xf32, #tpu.memory_space<vmem>>) target(%dma_start3A_144 : memref<80xf32, #tpu.memory_space<hbm>>) target_semaphore(%run_scoped3A : memref<!tpu.dma_semaphore, #tpu.memory_space<semaphore_mem>>)
          %dma_wait3A = arith.constant 0 : i32
          %dma_wait3A_147 = tpu.memref_slice %arg7[%dma_wait3A] : memref<3328xf32, #tpu.memory_space<vmem>> -> memref<80xf32, #tpu.memory_space<vmem>>
          %dma_wait3A_148 = tpu.memref_slice %arg5[%mul3A_2] : memref<50000xf32, #tpu.memory_space<hbm>> -> memref<80xf32, #tpu.memory_space<hbm>>
          %dma_wait3A_149 = tpu.memref_slice %arg5[%mul3A_2] : memref<50000xf32, #tpu.memory_space<hbm>> -> memref<80xf32, #tpu.memory_space<hbm>>
          %dma_wait3A_150 = arith.constant 0 : i32
          %dma_wait3A_151 = tpu.memref_slice %arg7[%dma_wait3A_150] : memref<3328xf32, #tpu.memory_space<vmem>> -> memref<80xf32, #tpu.memory_space<vmem>>
          tpu.wait_dma2 semaphore(%run_scoped3A : memref<!tpu.dma_semaphore, #tpu.memory_space<semaphore_mem>>) src(%dma_wait3A_151 : memref<80xf32, #tpu.memory_space<vmem>>) dst(%dma_wait3A_149 : memref<80xf32, #tpu.memory_space<hbm>>)
          tpu.yield
        }) : () -> ()
      } else {
      }
      %scan3A_134 = arith.constant 0 : i32
      %scan3A_135 = arith.constant 0 : i32
      %scan3A_136 = arith.constant 32 : i32
      %scan3A_137 = arith.addi %scan3A_135, %scan3A_136 : i32
      %scan3A_138 = arith.constant 1 : i32
      scf.for %scan3A_142 = %scan3A_135 to %scan3A_137 step %scan3A_138  : i32 {
        %broadcast_in_dim3A_143 = arith.constant 0 : i32
        %broadcast_in_dim3A_144 = vector.broadcast %broadcast_in_dim3A_143 : i32 to vector<16xi32>
        %mul3A_145 = arith.constant 32 : i32
        %mul3A_146 = arith.muli %arg1, %mul3A_145 : i32
        %add3A_147 = arith.addi %mul3A_146, %scan3A_142 : i32
        %add3A_148 = vector.broadcast %add3A_147 : i32 to vector<16xi32>
        %add3A_149 = arith.addi %broadcast_in_dim3A_144, %add3A_148 : vector<16xi32>
        %gather3A = tpu.vector_load_idx %arg12[%add3A_149] : memref<528xf32, #tpu.memory_space<vmem>>[vector<16xi32>], vector<16xf32>,
        %gt3A = arith.constant 0.000000e+00 : f32
        %gt3A_150 = vector.broadcast %gt3A : f32 to vector<16xf32>
        %gt3A_151 = arith.cmpf ogt, %gather3A, %gt3A_150 : vector<16xf32>
        %div3A_152 = arith.constant 1.000000e+00 : f32
        %div3A_153 = vector.broadcast %div3A_152 : f32 to vector<16xf32>
        %div3A_154 = arith.divf %div3A_153, %gather3A : vector<16xf32>
        %jit3A_155 = arith.constant 0.000000e+00 : f32
        %broadcast_in_dim3A_156 = vector.broadcast %jit3A_155 : f32 to vector<16xf32>
        %select_n3A_157 = arith.select %gt3A_151, %div3A_154, %broadcast_in_dim3A_156 : vector<16xi1>, vector<16xf32>
        %mul3A_158 = arith.constant 256 : i32
        %mul3A_159 = arith.muli %scan3A_142, %mul3A_158 : i32
        %add3A_160 = arith.constant 0 : i32
        %add3A_161 = arith.addi %mul3A_159, %add3A_160 : i32
        %get3A_162 = arith.index_cast %add3A_161 : i32 to index
        %get3A_163 = tpu.vector_load %arg13[%get3A_162] {strides = array<i32>} : memref<8192xf32, #tpu.memory_space<vmem>>, vector<16xf32>,
        %mul3A_164 = arith.mulf %get3A_163, %select_n3A_157 : vector<16xf32>
        %swap3A = arith.index_cast %add3A_161 : i32 to index
        %swap3A_165 = tpu.vector_load %arg13[%swap3A] {strides = array<i32>} : memref<8192xf32, #tpu.memory_space<vmem>>, vector<16xf32>,
        tpu.vector_store %arg13[%swap3A], %mul3A_164 {strides = array<i32>} : memref<8192xf32, #tpu.memory_space<vmem>>, vector<16xf32>,
        %mul3A_166 = arith.constant 256 : i32
        %mul3A_167 = arith.muli %scan3A_142, %mul3A_166 : i32
        %add3A_168 = arith.constant 16 : i32
        %add3A_169 = arith.addi %mul3A_167, %add3A_168 : i32
        %get3A_170 = arith.index_cast %add3A_169 : i32 to index
        %get3A_171 = tpu.vector_load %arg13[%get3A_170] {strides = array<i32>} : memref<8192xf32, #tpu.memory_space<vmem>>, vector<16xf32>,
        %mul3A_172 = arith.mulf %get3A_171, %select_n3A_157 : vector<16xf32>
        %swap3A_173 = arith.index_cast %add3A_169 : i32 to index
        %swap3A_174 = tpu.vector_load %arg13[%swap3A_173] {strides = array<i32>} : memref<8192xf32, #tpu.memory_space<vmem>>, vector<16xf32>,
        tpu.vector_store %arg13[%swap3A_173], %mul3A_172 {strides = array<i32>} : memref<8192xf32, #tpu.memory_space<vmem>>, vector<16xf32>,
        %mul3A_175 = arith.constant 256 : i32
        %mul3A_176 = arith.muli %scan3A_142, %mul3A_175 : i32
        %add3A_177 = arith.constant 32 : i32
        %add3A_178 = arith.addi %mul3A_176, %add3A_177 : i32
        %get3A_179 = arith.index_cast %add3A_178 : i32 to index
        %get3A_180 = tpu.vector_load %arg13[%get3A_179] {strides = array<i32>} : memref<8192xf32, #tpu.memory_space<vmem>>, vector<16xf32>,
        %mul3A_181 = arith.mulf %get3A_180, %select_n3A_157 : vector<16xf32>
        %swap3A_182 = arith.index_cast %add3A_178 : i32 to index
        %swap3A_183 = tpu.vector_load %arg13[%swap3A_182] {strides = array<i32>} : memref<8192xf32, #tpu.memory_space<vmem>>, vector<16xf32>,
        tpu.vector_store %arg13[%swap3A_182], %mul3A_181 {strides = array<i32>} : memref<8192xf32, #tpu.memory_space<vmem>>, vector<16xf32>,
        %mul3A_184 = arith.constant 256 : i32
        %mul3A_185 = arith.muli %scan3A_142, %mul3A_184 : i32
        %add3A_186 = arith.constant 48 : i32
        %add3A_187 = arith.addi %mul3A_185, %add3A_186 : i32
        %get3A_188 = arith.index_cast %add3A_187 : i32 to index
        %get3A_189 = tpu.vector_load %arg13[%get3A_188] {strides = array<i32>} : memref<8192xf32, #tpu.memory_space<vmem>>, vector<16xf32>,
        %mul3A_190 = arith.mulf %get3A_189, %select_n3A_157 : vector<16xf32>
        %swap3A_191 = arith.index_cast %add3A_187 : i32 to index
        %swap3A_192 = tpu.vector_load %arg13[%swap3A_191] {strides = array<i32>} : memref<8192xf32, #tpu.memory_space<vmem>>, vector<16xf32>,
        tpu.vector_store %arg13[%swap3A_191], %mul3A_190 {strides = array<i32>} : memref<8192xf32, #tpu.memory_space<vmem>>, vector<16xf32>,
        %mul3A_193 = arith.constant 256 : i32
        %mul3A_194 = arith.muli %scan3A_142, %mul3A_193 : i32
        %add3A_195 = arith.constant 64 : i32
        %add3A_196 = arith.addi %mul3A_194, %add3A_195 : i32
        %get3A_197 = arith.index_cast %add3A_196 : i32 to index
        %get3A_198 = tpu.vector_load %arg13[%get3A_197] {strides = array<i32>} : memref<8192xf32, #tpu.memory_space<vmem>>, vector<16xf32>,
        %mul3A_199 = arith.mulf %get3A_198, %select_n3A_157 : vector<16xf32>
        %swap3A_200 = arith.index_cast %add3A_196 : i32 to index
        %swap3A_201 = tpu.vector_load %arg13[%swap3A_200] {strides = array<i32>} : memref<8192xf32, #tpu.memory_space<vmem>>, vector<16xf32>,
        tpu.vector_store %arg13[%swap3A_200], %mul3A_199 {strides = array<i32>} : memref<8192xf32, #tpu.memory_space<vmem>>, vector<16xf32>,
        %mul3A_202 = arith.constant 256 : i32
        %mul3A_203 = arith.muli %scan3A_142, %mul3A_202 : i32
        %add3A_204 = arith.constant 80 : i32
        %add3A_205 = arith.addi %mul3A_203, %add3A_204 : i32
        %get3A_206 = arith.index_cast %add3A_205 : i32 to index
        %get3A_207 = tpu.vector_load %arg13[%get3A_206] {strides = array<i32>} : memref<8192xf32, #tpu.memory_space<vmem>>, vector<16xf32>,
        %mul3A_208 = arith.mulf %get3A_207, %select_n3A_157 : vector<16xf32>
        %swap3A_209 = arith.index_cast %add3A_205 : i32 to index
        %swap3A_210 = tpu.vector_load %arg13[%swap3A_209] {strides = array<i32>} : memref<8192xf32, #tpu.memory_space<vmem>>, vector<16xf32>,
        tpu.vector_store %arg13[%swap3A_209], %mul3A_208 {strides = array<i32>} : memref<8192xf32, #tpu.memory_space<vmem>>, vector<16xf32>,
        %mul3A_211 = arith.constant 256 : i32
        %mul3A_212 = arith.muli %scan3A_142, %mul3A_211 : i32
        %add3A_213 = arith.constant 96 : i32
        %add3A_214 = arith.addi %mul3A_212, %add3A_213 : i32
        %get3A_215 = arith.index_cast %add3A_214 : i32 to index
        %get3A_216 = tpu.vector_load %arg13[%get3A_215] {strides = array<i32>} : memref<8192xf32, #tpu.memory_space<vmem>>, vector<16xf32>,
        %mul3A_217 = arith.mulf %get3A_216, %select_n3A_157 : vector<16xf32>
        %swap3A_218 = arith.index_cast %add3A_214 : i32 to index
        %swap3A_219 = tpu.vector_load %arg13[%swap3A_218] {strides = array<i32>} : memref<8192xf32, #tpu.memory_space<vmem>>, vector<16xf32>,
        tpu.vector_store %arg13[%swap3A_218], %mul3A_217 {strides = array<i32>} : memref<8192xf32, #tpu.memory_space<vmem>>, vector<16xf32>,
        %mul3A_220 = arith.constant 256 : i32
        %mul3A_221 = arith.muli %scan3A_142, %mul3A_220 : i32
        %add3A_222 = arith.constant 112 : i32
        %add3A_223 = arith.addi %mul3A_221, %add3A_222 : i32
        %get3A_224 = arith.index_cast %add3A_223 : i32 to index
        %get3A_225 = tpu.vector_load %arg13[%get3A_224] {strides = array<i32>} : memref<8192xf32, #tpu.memory_space<vmem>>, vector<16xf32>,
        %mul3A_226 = arith.mulf %get3A_225, %select_n3A_157 : vector<16xf32>
        %swap3A_227 = arith.index_cast %add3A_223 : i32 to index
        %swap3A_228 = tpu.vector_load %arg13[%swap3A_227] {strides = array<i32>} : memref<8192xf32, #tpu.memory_space<vmem>>, vector<16xf32>,
        tpu.vector_store %arg13[%swap3A_227], %mul3A_226 {strides = array<i32>} : memref<8192xf32, #tpu.memory_space<vmem>>, vector<16xf32>,
        %mul3A_229 = arith.constant 256 : i32
        %mul3A_230 = arith.muli %scan3A_142, %mul3A_229 : i32
        %add3A_231 = arith.constant 128 : i32
        %add3A_232 = arith.addi %mul3A_230, %add3A_231 : i32
        %get3A_233 = arith.index_cast %add3A_232 : i32 to index
        %get3A_234 = tpu.vector_load %arg13[%get3A_233] {strides = array<i32>} : memref<8192xf32, #tpu.memory_space<vmem>>, vector<16xf32>,
        %mul3A_235 = arith.mulf %get3A_234, %select_n3A_157 : vector<16xf32>
        %swap3A_236 = arith.index_cast %add3A_232 : i32 to index
        %swap3A_237 = tpu.vector_load %arg13[%swap3A_236] {strides = array<i32>} : memref<8192xf32, #tpu.memory_space<vmem>>, vector<16xf32>,
        tpu.vector_store %arg13[%swap3A_236], %mul3A_235 {strides = array<i32>} : memref<8192xf32, #tpu.memory_space<vmem>>, vector<16xf32>,
        %mul3A_238 = arith.constant 256 : i32
        %mul3A_239 = arith.muli %scan3A_142, %mul3A_238 : i32
        %add3A_240 = arith.constant 144 : i32
        %add3A_241 = arith.addi %mul3A_239, %add3A_240 : i32
        %get3A_242 = arith.index_cast %add3A_241 : i32 to index
        %get3A_243 = tpu.vector_load %arg13[%get3A_242] {strides = array<i32>} : memref<8192xf32, #tpu.memory_space<vmem>>, vector<16xf32>,
        %mul3A_244 = arith.mulf %get3A_243, %select_n3A_157 : vector<16xf32>
        %swap3A_245 = arith.index_cast %add3A_241 : i32 to index
        %swap3A_246 = tpu.vector_load %arg13[%swap3A_245] {strides = array<i32>} : memref<8192xf32, #tpu.memory_space<vmem>>, vector<16xf32>,
        tpu.vector_store %arg13[%swap3A_245], %mul3A_244 {strides = array<i32>} : memref<8192xf32, #tpu.memory_space<vmem>>, vector<16xf32>,
        %mul3A_247 = arith.constant 256 : i32
        %mul3A_248 = arith.muli %scan3A_142, %mul3A_247 : i32
        %add3A_249 = arith.constant 160 : i32
        %add3A_250 = arith.addi %mul3A_248, %add3A_249 : i32
        %get3A_251 = arith.index_cast %add3A_250 : i32 to index
        %get3A_252 = tpu.vector_load %arg13[%get3A_251] {strides = array<i32>} : memref<8192xf32, #tpu.memory_space<vmem>>, vector<16xf32>,
        %mul3A_253 = arith.mulf %get3A_252, %select_n3A_157 : vector<16xf32>
        %swap3A_254 = arith.index_cast %add3A_250 : i32 to index
        %swap3A_255 = tpu.vector_load %arg13[%swap3A_254] {strides = array<i32>} : memref<8192xf32, #tpu.memory_space<vmem>>, vector<16xf32>,
        tpu.vector_store %arg13[%swap3A_254], %mul3A_253 {strides = array<i32>} : memref<8192xf32, #tpu.memory_space<vmem>>, vector<16xf32>,
        %mul3A_256 = arith.constant 256 : i32
        %mul3A_257 = arith.muli %scan3A_142, %mul3A_256 : i32
        %add3A_258 = arith.constant 176 : i32
        %add3A_259 = arith.addi %mul3A_257, %add3A_258 : i32
        %get3A_260 = arith.index_cast %add3A_259 : i32 to index
        %get3A_261 = tpu.vector_load %arg13[%get3A_260] {strides = array<i32>} : memref<8192xf32, #tpu.memory_space<vmem>>, vector<16xf32>,
        %mul3A_262 = arith.mulf %get3A_261, %select_n3A_157 : vector<16xf32>
        %swap3A_263 = arith.index_cast %add3A_259 : i32 to index
        %swap3A_264 = tpu.vector_load %arg13[%swap3A_263] {strides = array<i32>} : memref<8192xf32, #tpu.memory_space<vmem>>, vector<16xf32>,
        tpu.vector_store %arg13[%swap3A_263], %mul3A_262 {strides = array<i32>} : memref<8192xf32, #tpu.memory_space<vmem>>, vector<16xf32>,
        %mul3A_265 = arith.constant 256 : i32
        %mul3A_266 = arith.muli %scan3A_142, %mul3A_265 : i32
        %add3A_267 = arith.constant 192 : i32
        %add3A_268 = arith.addi %mul3A_266, %add3A_267 : i32
        %get3A_269 = arith.index_cast %add3A_268 : i32 to index
        %get3A_270 = tpu.vector_load %arg13[%get3A_269] {strides = array<i32>} : memref<8192xf32, #tpu.memory_space<vmem>>, vector<16xf32>,
        %mul3A_271 = arith.mulf %get3A_270, %select_n3A_157 : vector<16xf32>
        %swap3A_272 = arith.index_cast %add3A_268 : i32 to index
        %swap3A_273 = tpu.vector_load %arg13[%swap3A_272] {strides = array<i32>} : memref<8192xf32, #tpu.memory_space<vmem>>, vector<16xf32>,
        tpu.vector_store %arg13[%swap3A_272], %mul3A_271 {strides = array<i32>} : memref<8192xf32, #tpu.memory_space<vmem>>, vector<16xf32>,
        %mul3A_274 = arith.constant 256 : i32
        %mul3A_275 = arith.muli %scan3A_142, %mul3A_274 : i32
        %add3A_276 = arith.constant 208 : i32
        %add3A_277 = arith.addi %mul3A_275, %add3A_276 : i32
        %get3A_278 = arith.index_cast %add3A_277 : i32 to index
        %get3A_279 = tpu.vector_load %arg13[%get3A_278] {strides = array<i32>} : memref<8192xf32, #tpu.memory_space<vmem>>, vector<16xf32>,
        %mul3A_280 = arith.mulf %get3A_279, %select_n3A_157 : vector<16xf32>
        %swap3A_281 = arith.index_cast %add3A_277 : i32 to index
        %swap3A_282 = tpu.vector_load %arg13[%swap3A_281] {strides = array<i32>} : memref<8192xf32, #tpu.memory_space<vmem>>, vector<16xf32>,
        tpu.vector_store %arg13[%swap3A_281], %mul3A_280 {strides = array<i32>} : memref<8192xf32, #tpu.memory_space<vmem>>, vector<16xf32>,
        %mul3A_283 = arith.constant 256 : i32
        %mul3A_284 = arith.muli %scan3A_142, %mul3A_283 : i32
        %add3A_285 = arith.constant 224 : i32
        %add3A_286 = arith.addi %mul3A_284, %add3A_285 : i32
        %get3A_287 = arith.index_cast %add3A_286 : i32 to index
        %get3A_288 = tpu.vector_load %arg13[%get3A_287] {strides = array<i32>} : memref<8192xf32, #tpu.memory_space<vmem>>, vector<16xf32>,
        %mul3A_289 = arith.mulf %get3A_288, %select_n3A_157 : vector<16xf32>
        %swap3A_290 = arith.index_cast %add3A_286 : i32 to index
        %swap3A_291 = tpu.vector_load %arg13[%swap3A_290] {strides = array<i32>} : memref<8192xf32, #tpu.memory_space<vmem>>, vector<16xf32>,
        tpu.vector_store %arg13[%swap3A_290], %mul3A_289 {strides = array<i32>} : memref<8192xf32, #tpu.memory_space<vmem>>, vector<16xf32>,
        %mul3A_292 = arith.constant 256 : i32
        %mul3A_293 = arith.muli %scan3A_142, %mul3A_292 : i32
        %add3A_294 = arith.constant 240 : i32
        %add3A_295 = arith.addi %mul3A_293, %add3A_294 : i32
        %get3A_296 = arith.index_cast %add3A_295 : i32 to index
        %get3A_297 = tpu.vector_load %arg13[%get3A_296] {strides = array<i32>} : memref<8192xf32, #tpu.memory_space<vmem>>, vector<16xf32>,
        %mul3A_298 = arith.mulf %get3A_297, %select_n3A_157 : vector<16xf32>
        %swap3A_299 = arith.index_cast %add3A_295 : i32 to index
        %swap3A_300 = tpu.vector_load %arg13[%swap3A_299] {strides = array<i32>} : memref<8192xf32, #tpu.memory_space<vmem>>, vector<16xf32>,
        tpu.vector_store %arg13[%swap3A_299], %mul3A_298 {strides = array<i32>} : memref<8192xf32, #tpu.memory_space<vmem>>, vector<16xf32>,
      }
      %scan3A_139 = arith.constant 32 : i32
      %mul3A_140 = arith.constant 8192 : i32
      %mul3A_141 = arith.muli %arg1, %mul3A_140 : i32
      "tpu.region"() ({
        %run_scoped3A = tpu.sem_alloc : memref<!tpu.dma_semaphore, #tpu.memory_space<semaphore_mem>>
        %dma_start3A = tpu.memref_slice %arg6[%mul3A_141] : memref<131072xf32, #tpu.memory_space<hbm>> -> memref<8192xf32, #tpu.memory_space<hbm>>
        %dma_start3A_142 = tpu.memref_slice %arg6[%mul3A_141] : memref<131072xf32, #tpu.memory_space<hbm>> -> memref<8192xf32, #tpu.memory_space<hbm>>
        tpu.enqueue_dma source(%arg13 : memref<8192xf32, #tpu.memory_space<vmem>>) target(%dma_start3A_142 : memref<8192xf32, #tpu.memory_space<hbm>>) target_semaphore(%run_scoped3A : memref<!tpu.dma_semaphore, #tpu.memory_space<semaphore_mem>>)
        %dma_wait3A = tpu.memref_slice %arg6[%mul3A_141] : memref<131072xf32, #tpu.memory_space<hbm>> -> memref<8192xf32, #tpu.memory_space<hbm>>
        %dma_wait3A_143 = tpu.memref_slice %arg6[%mul3A_141] : memref<131072xf32, #tpu.memory_space<hbm>> -> memref<8192xf32, #tpu.memory_space<hbm>>
        tpu.wait_dma2 semaphore(%run_scoped3A : memref<!tpu.dma_semaphore, #tpu.memory_space<semaphore_mem>>) src(%arg13 : memref<8192xf32, #tpu.memory_space<vmem>>) dst(%dma_wait3A_143 : memref<8192xf32, #tpu.memory_space<hbm>>)
        tpu.yield
      }) : () -> ()
    } else {
    }
    return
  }
}

module attributes {stable_mosaic.version = 14 : i64} {
  func.func @_fused_body(%arg0: i32, %arg1: memref<4096x256xf32, #tpu.memory_space<vmem>>, %arg2: memref<256x128xf32, #tpu.memory_space<vmem>>, %arg3: memref<1x128xf32, #tpu.memory_space<vmem>>, %arg4: memref<1x128xf32, #tpu.memory_space<vmem>>, %arg5: memref<1x1xf32, #tpu.memory_space<vmem>>, %arg6: memref<1x1x4096xi32, #tpu.memory_space<vmem>>, %arg7: memref<1x1x4096xf32, #tpu.memory_space<vmem>>, %arg8: memref<512x256xf32, #tpu.memory_space<vmem>>) attributes {dimension_semantics = [#tpu.dimension_semantics<arbitrary>], iteration_bounds = array<i64: 13>, scalar_prefetch = 0 : i64, scratch_operands = 0 : i64, tpu.core_type = #tpu.core_type<tc>, window_params = [{transform_indices = @transform_0, window_bounds = array<i64: 4096, 256>}, {pipeline_mode = #tpu.pipeline_mode<synchronous>, transform_indices = @transform_1, window_bounds = array<i64: 256, 128>}, {pipeline_mode = #tpu.pipeline_mode<synchronous>, transform_indices = @transform_2, window_bounds = array<i64: 1, 128>}, {pipeline_mode = #tpu.pipeline_mode<synchronous>, transform_indices = @transform_3, window_bounds = array<i64: 1, 128>}, {pipeline_mode = #tpu.pipeline_mode<synchronous>, transform_indices = @transform_4, window_bounds = array<i64: 1, 1>}, {transform_indices = @transform_5, window_bounds = array<i64: 1, 1, 4096>}, {transform_indices = @transform_6, window_bounds = array<i64: 1, 1, 4096>}, {pipeline_mode = #tpu.pipeline_mode<synchronous>, transform_indices = @transform_7, window_bounds = array<i64: 512, 256>}]} {
    %eq3A = arith.constant 0 : i32
    %eq3A_0 = arith.cmpi eq, %arg0, %eq3A : i32
    %convert_element_type3A = arith.extui %eq3A_0 : i1 to i32
    %cond3A = arith.constant 0 : i32
    %cond3A_1 = arith.cmpi ne, %convert_element_type3A, %cond3A : i32
    scf.if %cond3A_1 {
      %broadcast_in_dim3A_99 = arith.constant 0.000000e+00 : f32
      %broadcast_in_dim3A_100 = vector.broadcast %broadcast_in_dim3A_99 : f32 to vector<512x256xf32>
      %swap3A_101 = arith.constant 0 : index
      %swap3A_102 = arith.constant 0 : index
      %swap3A_103 = vector.load %arg8[%swap3A_101, %swap3A_102] : memref<512x256xf32, #tpu.memory_space<vmem>>, vector<512x256xf32>
      tpu.vector_store %arg8[%swap3A_101, %swap3A_102], %broadcast_in_dim3A_100 {strides = array<i32>} : memref<512x256xf32, #tpu.memory_space<vmem>>, vector<512x256xf32>,
    } else {
    }
    %broadcast_in_dim3A = arith.constant 0.000000e+00 : f32
    %broadcast_in_dim3A_2 = vector.broadcast %broadcast_in_dim3A : f32 to vector<512x256xf32>
    %get3A = arith.constant 0 : index
    %get3A_3 = arith.constant 0 : index
    %get3A_4 = vector.load %arg1[%get3A, %get3A_3] : memref<4096x256xf32, #tpu.memory_space<vmem>>, vector<2048x256xf32>
    %get3A_5 = arith.constant 0 : index
    %get3A_6 = arith.constant 0 : index
    %get3A_7 = vector.load %arg2[%get3A_5, %get3A_6] : memref<256x128xf32, #tpu.memory_space<vmem>>, vector<256x128xf32>
    %dot_general3A = arith.constant dense<0.000000e+00> : vector<2048x128xf32>
    %dot_general3A_8 = tpu.matmul %get3A_4, %get3A_7, %dot_general3A {dimension_numbers = #tpu.dot_dimension_numbers<[1], [0], [0], [1], [0, 0, 1, 1], [], []>, transpose_lhs_hint = false} : vector<2048x256xf32>, vector<256x128xf32>, vector<2048x128xf32> -> vector<2048x128xf32>
    %get3A_9 = arith.constant 0 : index
    %get3A_10 = arith.constant 0 : index
    %get3A_11 = vector.load %arg3[%get3A_9, %get3A_10] : memref<1x128xf32, #tpu.memory_space<vmem>>, vector<1x128xf32>
    %add3A = vector.broadcast %get3A_11 : vector<1x128xf32> to vector<2048x128xf32>
    %add3A_12 = arith.addf %dot_general3A_8, %add3A : vector<2048x128xf32>
    %tanh3A = math.tanh %add3A_12 : vector<2048x128xf32>
    %get3A_13 = arith.constant 0 : index
    %get3A_14 = arith.constant 0 : index
    %get3A_15 = vector.load %arg4[%get3A_13, %get3A_14] : memref<1x128xf32, #tpu.memory_space<vmem>>, vector<1x128xf32>
    %dot_general3A_16 = arith.constant dense<0.000000e+00> : vector<1x2048xf32>
    %dot_general3A_17 = tpu.matmul %get3A_15, %tanh3A, %dot_general3A_16 {dimension_numbers = #tpu.dot_dimension_numbers<[1], [1], [0], [0], [0, 0, 1, 0], [], []>, transpose_lhs_hint = false} : vector<1x128xf32>, vector<2048x128xf32>, vector<1x2048xf32> -> vector<1x2048xf32>
    %get3A_18 = arith.constant 0 : index
    %get3A_19 = arith.constant 0 : index
    %get3A_20 = vector.load %arg5[%get3A_18, %get3A_19] : memref<1x1xf32, #tpu.memory_space<vmem>>, vector<1x1xf32>
    %add3A_21 = vector.broadcast %get3A_20 : vector<1x1xf32> to vector<1x2048xf32>
    %add3A_22 = arith.addf %dot_general3A_17, %add3A_21 : vector<1x2048xf32>
    %exp3A = math.exp %add3A_22 : vector<1x2048xf32>
    %swap3A = arith.constant 0 : index
    %swap3A_23 = arith.constant 0 : index
    %swap3A_24 = arith.constant 0 : index
    %swap3A_25 = vector.load %arg7[%swap3A, %swap3A_23, %swap3A_24] : memref<1x1x4096xf32, #tpu.memory_space<vmem>>, vector<1x1x2048xf32>
    %swap3A_26 = vector.shape_cast %swap3A_25 : vector<1x1x2048xf32> to vector<1x2048xf32>
    %swap3A_27 = vector.shape_cast %exp3A : vector<1x2048xf32> to vector<1x1x2048xf32>
    tpu.vector_store %arg7[%swap3A, %swap3A_23, %swap3A_24], %swap3A_27 {strides = array<i32>} : memref<1x1x4096xf32, #tpu.memory_space<vmem>>, vector<1x1x2048xf32>,
    %get3A_28 = arith.constant 0 : index
    %get3A_29 = arith.constant 0 : index
    %get3A_30 = arith.constant 0 : index
    %get3A_31 = vector.load %arg6[%get3A_28, %get3A_29, %get3A_30] : memref<1x1x4096xi32, #tpu.memory_space<vmem>>, vector<1x1x2048xi32>
    %get3A_32 = vector.shape_cast %get3A_31 : vector<1x1x2048xi32> to vector<1x2048xi32>
    %iota3A = tpu.iota {dimensions = array<i32: 0>} : vector<512x2048xi32>
    %eq3A_33 = vector.broadcast %get3A_32 : vector<1x2048xi32> to vector<512x2048xi32>
    %eq3A_34 = arith.cmpi eq, %eq3A_33, %iota3A : vector<512x2048xi32>
    %jit3A = arith.constant 0.000000e+00 : f32
    %broadcast_in_dim3A_35 = vector.shape_cast %exp3A : vector<1x2048xf32> to vector<1x2048xf32>
    %broadcast_in_dim3A_36 = vector.broadcast %broadcast_in_dim3A_35 : vector<1x2048xf32> to vector<512x2048xf32>
    %broadcast_in_dim3A_37 = vector.broadcast %jit3A : f32 to vector<512x2048xf32>
    %select_n3A = arith.select %eq3A_34, %broadcast_in_dim3A_36, %broadcast_in_dim3A_37 : vector<512x2048xi1>, vector<512x2048xf32>
    %convert_element_type3A_38 = arith.truncf %select_n3A : vector<512x2048xf32> to vector<512x2048xbf16>
    %convert_element_type3A_39 = arith.truncf %get3A_4 : vector<2048x256xf32> to vector<2048x256xbf16>
    %dot_general3A_40 = arith.constant dense<0.000000e+00> : vector<512x256xf32>
    %dot_general3A_41 = tpu.matmul %convert_element_type3A_38, %convert_element_type3A_39, %dot_general3A_40 {dimension_numbers = #tpu.dot_dimension_numbers<[1], [0], [0], [1], [0, 0, 1, 1], [], []>, transpose_lhs_hint = false} : vector<512x2048xbf16>, vector<2048x256xbf16>, vector<512x256xf32> -> vector<512x256xf32>
    %add3A_42 = arith.addf %broadcast_in_dim3A_2, %dot_general3A_41 : vector<512x256xf32>
    %get3A_43 = arith.constant 2048 : index
    %get3A_44 = arith.constant 0 : index
    %get3A_45 = vector.load %arg1[%get3A_43, %get3A_44] : memref<4096x256xf32, #tpu.memory_space<vmem>>, vector<2048x256xf32>
    %get3A_46 = arith.constant 0 : index
    %get3A_47 = arith.constant 0 : index
    %get3A_48 = vector.load %arg2[%get3A_46, %get3A_47] : memref<256x128xf32, #tpu.memory_space<vmem>>, vector<256x128xf32>
    %dot_general3A_49 = arith.constant dense<0.000000e+00> : vector<2048x128xf32>
    %dot_general3A_50 = tpu.matmul %get3A_45, %get3A_48, %dot_general3A_49 {dimension_numbers = #tpu.dot_dimension_numbers<[1], [0], [0], [1], [0, 0, 1, 1], [], []>, transpose_lhs_hint = false} : vector<2048x256xf32>, vector<256x128xf32>, vector<2048x128xf32> -> vector<2048x128xf32>
    %get3A_51 = arith.constant 0 : index
    %get3A_52 = arith.constant 0 : index
    %get3A_53 = vector.load %arg3[%get3A_51, %get3A_52] : memref<1x128xf32, #tpu.memory_space<vmem>>, vector<1x128xf32>
    %add3A_54 = vector.broadcast %get3A_53 : vector<1x128xf32> to vector<2048x128xf32>
    %add3A_55 = arith.addf %dot_general3A_50, %add3A_54 : vector<2048x128xf32>
    %tanh3A_56 = math.tanh %add3A_55 : vector<2048x128xf32>
    %get3A_57 = arith.constant 0 : index
    %get3A_58 = arith.constant 0 : index
    %get3A_59 = vector.load %arg4[%get3A_57, %get3A_58] : memref<1x128xf32, #tpu.memory_space<vmem>>, vector<1x128xf32>
    %dot_general3A_60 = arith.constant dense<0.000000e+00> : vector<1x2048xf32>
    %dot_general3A_61 = tpu.matmul %get3A_59, %tanh3A_56, %dot_general3A_60 {dimension_numbers = #tpu.dot_dimension_numbers<[1], [1], [0], [0], [0, 0, 1, 0], [], []>, transpose_lhs_hint = false} : vector<1x128xf32>, vector<2048x128xf32>, vector<1x2048xf32> -> vector<1x2048xf32>
    %get3A_62 = arith.constant 0 : index
    %get3A_63 = arith.constant 0 : index
    %get3A_64 = vector.load %arg5[%get3A_62, %get3A_63] : memref<1x1xf32, #tpu.memory_space<vmem>>, vector<1x1xf32>
    %add3A_65 = vector.broadcast %get3A_64 : vector<1x1xf32> to vector<1x2048xf32>
    %add3A_66 = arith.addf %dot_general3A_61, %add3A_65 : vector<1x2048xf32>
    %exp3A_67 = math.exp %add3A_66 : vector<1x2048xf32>
    %swap3A_68 = arith.constant 0 : index
    %swap3A_69 = arith.constant 0 : index
    %swap3A_70 = arith.constant 2048 : index
    %swap3A_71 = vector.load %arg7[%swap3A_68, %swap3A_69, %swap3A_70] : memref<1x1x4096xf32, #tpu.memory_space<vmem>>, vector<1x1x2048xf32>
    %swap3A_72 = vector.shape_cast %swap3A_71 : vector<1x1x2048xf32> to vector<1x2048xf32>
    %swap3A_73 = vector.shape_cast %exp3A_67 : vector<1x2048xf32> to vector<1x1x2048xf32>
    tpu.vector_store %arg7[%swap3A_68, %swap3A_69, %swap3A_70], %swap3A_73 {strides = array<i32>} : memref<1x1x4096xf32, #tpu.memory_space<vmem>>, vector<1x1x2048xf32>,
    %get3A_74 = arith.constant 0 : index
    %get3A_75 = arith.constant 0 : index
    %get3A_76 = arith.constant 2048 : index
    %get3A_77 = vector.load %arg6[%get3A_74, %get3A_75, %get3A_76] : memref<1x1x4096xi32, #tpu.memory_space<vmem>>, vector<1x1x2048xi32>
    %get3A_78 = vector.shape_cast %get3A_77 : vector<1x1x2048xi32> to vector<1x2048xi32>
    %iota3A_79 = tpu.iota {dimensions = array<i32: 0>} : vector<512x2048xi32>
    %eq3A_80 = vector.broadcast %get3A_78 : vector<1x2048xi32> to vector<512x2048xi32>
    %eq3A_81 = arith.cmpi eq, %eq3A_80, %iota3A_79 : vector<512x2048xi32>
    %jit3A_82 = arith.constant 0.000000e+00 : f32
    %broadcast_in_dim3A_83 = vector.shape_cast %exp3A_67 : vector<1x2048xf32> to vector<1x2048xf32>
    %broadcast_in_dim3A_84 = vector.broadcast %broadcast_in_dim3A_83 : vector<1x2048xf32> to vector<512x2048xf32>
    %broadcast_in_dim3A_85 = vector.broadcast %jit3A_82 : f32 to vector<512x2048xf32>
    %select_n3A_86 = arith.select %eq3A_81, %broadcast_in_dim3A_84, %broadcast_in_dim3A_85 : vector<512x2048xi1>, vector<512x2048xf32>
    %convert_element_type3A_87 = arith.truncf %select_n3A_86 : vector<512x2048xf32> to vector<512x2048xbf16>
    %convert_element_type3A_88 = arith.truncf %get3A_45 : vector<2048x256xf32> to vector<2048x256xbf16>
    %dot_general3A_89 = arith.constant dense<0.000000e+00> : vector<512x256xf32>
    %dot_general3A_90 = tpu.matmul %convert_element_type3A_87, %convert_element_type3A_88, %dot_general3A_89 {dimension_numbers = #tpu.dot_dimension_numbers<[1], [0], [0], [1], [0, 0, 1, 1], [], []>, transpose_lhs_hint = false} : vector<512x2048xbf16>, vector<2048x256xbf16>, vector<512x256xf32> -> vector<512x256xf32>
    %add3A_91 = arith.addf %add3A_42, %dot_general3A_90 : vector<512x256xf32>
    %get3A_92 = arith.constant 0 : index
    %get3A_93 = arith.constant 0 : index
    %get3A_94 = vector.load %arg8[%get3A_92, %get3A_93] : memref<512x256xf32, #tpu.memory_space<vmem>>, vector<512x256xf32>
    %add3A_95 = arith.addf %get3A_94, %add3A_91 : vector<512x256xf32>
    %swap3A_96 = arith.constant 0 : index
    %swap3A_97 = arith.constant 0 : index
    %swap3A_98 = vector.load %arg8[%swap3A_96, %swap3A_97] : memref<512x256xf32, #tpu.memory_space<vmem>>, vector<512x256xf32>
    tpu.vector_store %arg8[%swap3A_96, %swap3A_97], %add3A_95 {strides = array<i32>} : memref<512x256xf32, #tpu.memory_space<vmem>>, vector<512x256xf32>,
    return
  }
  func.func @transform_0(%arg0: i32) -> (i32, i32) {
    %c0_i32 = arith.constant 0 : i32
    %c0_i32_0 = arith.constant 0 : i32
    return %arg0, %c0_i32 : i32, i32
  }
  func.func @transform_1(%arg0: i32) -> (i32, i32) {
    %c0_i32 = arith.constant 0 : i32
    %c0_i32_0 = arith.constant 0 : i32
    %c0_i32_1 = arith.constant 0 : i32
    return %c0_i32, %c0_i32_0 : i32, i32
  }
  func.func @transform_2(%arg0: i32) -> (i32, i32) {
    %c0_i32 = arith.constant 0 : i32
    %c0_i32_0 = arith.constant 0 : i32
    %c0_i32_1 = arith.constant 0 : i32
    return %c0_i32, %c0_i32_0 : i32, i32
  }
  func.func @transform_3(%arg0: i32) -> (i32, i32) {
    %c0_i32 = arith.constant 0 : i32
    %c0_i32_0 = arith.constant 0 : i32
    %c0_i32_1 = arith.constant 0 : i32
    return %c0_i32, %c0_i32_0 : i32, i32
  }
  func.func @transform_4(%arg0: i32) -> (i32, i32) {
    %c0_i32 = arith.constant 0 : i32
    %c0_i32_0 = arith.constant 0 : i32
    %c0_i32_1 = arith.constant 0 : i32
    return %c0_i32, %c0_i32_0 : i32, i32
  }
  func.func @transform_5(%arg0: i32) -> (i32, i32, i32) {
    %c0_i32 = arith.constant 0 : i32
    %c0_i32_0 = arith.constant 0 : i32
    %c0_i32_1 = arith.constant 0 : i32
    return %arg0, %c0_i32, %c0_i32_0 : i32, i32, i32
  }
  func.func @transform_6(%arg0: i32) -> (i32, i32, i32) {
    %c0_i32 = arith.constant 0 : i32
    %c0_i32_0 = arith.constant 0 : i32
    %c0_i32_1 = arith.constant 0 : i32
    return %arg0, %c0_i32, %c0_i32_0 : i32, i32, i32
  }
  func.func @transform_7(%arg0: i32) -> (i32, i32) {
    %c0_i32 = arith.constant 0 : i32
    %c0_i32_0 = arith.constant 0 : i32
    %c0_i32_1 = arith.constant 0 : i32
    return %c0_i32, %c0_i32_0 : i32, i32
  }
}

</mosaic_0001>

<sc_bundles>
// kernel: kernel.4.cloned.1.call-start
scs
__scs_entry_jumppad:
0x0: {  	(pc) =	sbr.rel $0x88, $3  }
0x1: {  	(tag) =	ssettag $0x0;
	lr =	simm.s32 $0x1  }
0x2: {  	[smem:$0x3F9B] =	sst lr;
	_ =	strace $0xD0000000  }
0x3: {  	_ = 	snop  }
0x4: {  	_ = 	snop  }
0x5: {  	_ = 	snop  }
0x6: {  	_ = 	snop  }
0x7: {  	_ = 	snop  }
__scs_overlays_trampoline_lowered:
0x8: {  	[smem:$0x3FAA] =	sst s0  }
0x9: {  	[smem:$0x3FAB] =	sst s1  }
0xa: {  	[smem:$0x3FAC] =	sst s2  }
0xb: {  	[smem:$0x3FAD] =	sst s3  }
0xc: {  	[smem:$0x3FAE] =	sst s4  }
0xd: {  	[smem:$0x3FAF] =	sst s5  }
0xe: {  	[smem:$0x3FB0] =	sst s6  }
0xf: {  	[smem:$0x3FB1] =	sst s7  }
0x10: {  	[smem:$0x3FB2] =	sst s8  }
0x11: {  	[smem:$0x3FB3] =	sst s9;
	s0 =	simm.s32 @!p0 $0x0  }
0x12: {  	s1 =	sld [smem:$0x3F99];
	s0 =	simm.s32 @p0 $0x1  }
0x13: {  	[smem:$0x3FB4] =	sst s0;
	s0 =	simm.s32 @!p1 $0x0  }
0x14: {  	s2 =	sld [smem:$0x3F98];
	s0 =	simm.s32 @p1 $0x1  }
0x15: {  	[smem:$0x3FB5] =	sst s0;
	s0 =	simm.s32 @!p2 $0x0  }
0x16: {  	s3 =	sld [smem:$0x3FDB];
	s0 =	simm.s32 @p2 $0x1  }
0x17: {  	s4 =	simm.s32 $0x1BF5;
	[smem:$0x3FB7] =	sst s0  }
0x18: {  	s0 =	sld [smem:$0x3F9A];
	_ =	swait.ge [sflag:s4], $0x0  }
0x19: {  	s7 =	sld [smem:$0x3F9B]  }
0x1a: {  	s8 =	sadd.s32 $0xFFFFE003, lr  }
0x1b: {  	s9 =	sadd.s32 $0xFFFFFEF7, lr;
	s5 =	simm.s32 $0xFFFFFFFF;
	p2 =	slt.u32 s8, $0xFFFFF086  }
0x1c: {  	p1 =	slt.u32 s9, $0xF7A;
	s5 =	simm.s32 @!p2 $0x0  }
0x1d: {  	s5 =	simm.s32 @p1 $0x1;
	p0 =	seq.s32 s7, s2  }
0x1e: {  	s7 =	smul.u32 @!p0 $0xF7A, s2;
	p2 =	seq.s32 @!p0 s5, $0x0  }
0x1f: {  	s9 =	smul.u32 $0xF7A, s1;
	s8 =	simm.s32 @!p0 $0x1BF5;
	p2 =	por !p2, p0  }
0x20: {  	[sflag:s8] =	ssyncset.s32 @!p0 $0xFFFFF086;
	s6 =	sadd.s32 @!p0 s3, s7;
	s7 =	simm.s32 @!p0 $0x108  }
0x21: {  	s3 =	sadd.s32 s3, s9;
	s6 =	sadd.s32 @!p0 $0x88, s6;
	s7 =	simm.s32 @p2 $0x1082  }
0x22: {  	[simem:s7], [sflag:s8] =	dma.local @!p0 [hbm:s6], $0xF7A  }
0x23: {  	s9 =	sor.u32 $0xD0000000, s2;
	s6 =	simm.s32 $0x108;
	_ =	swait.ge @!p0 [sflag:s8], $0x0  }
0x24: {  	s3 =	sadd.s32 $0x88, s3;
	s6 =	simm.s32 @!p1 $0x1082;
	[sflag:s4] =	ssyncset.s32 $0xFFFFF086  }
0x25: {  	[simem:s6], [sflag:s4] =	dma.local [hbm:s3], $0xF7A  }
0x26: {  	[smem:$0x3F9B] =	sst s1;
	(tag) =	ssettag s2;
	_ =	strace s9  }
0x27: {  	s1 =	sld [smem:$0x3FAB]  }
0x28: {  	s2 =	sld [smem:$0x3FAC]  }
0x29: {  	s4 =	sld [smem:$0x3FAE]  }
0x2a: {  	p0 =	seq.s32 s5, $0x0;
	s5 =	sld [smem:$0x3FAF]  }
0x2b: {  	s6 =	sld [smem:$0x3FB0]  }
0x2c: {  	s7 =	sld [smem:$0x3FB1]  }
0x2d: {  	s3 =	simm.s32 $0x108;
	s8 =	sld [smem:$0x3FB2]  }
0x2e: {  	s3 =	simm.s32 @!p0 $0x1082;
	s9 =	sld [smem:$0x3FB3]  }
0x2f: {  	lr =	sadd.s32 s0, s3;
	s0 =	sld [smem:$0x3FAA]  }
0x30: {  	s3 =	sld [smem:$0x3FAD]  }
0x31: {  	[smem:$0x3FB6] =	sst s10  }
0x32: {  	s10 =	sld [smem:$0x3FB4];
	_ =	sdelay $0x3  }
0x33: {  	p0 =	seq.s32 s10, $0x1;
	s10 =	sld [smem:$0x3FB6];
	_ =	sdelay $0x3  }
0x34: {  	[smem:$0x3FB6] =	sst s10  }
0x35: {  	s10 =	sld [smem:$0x3FB5];
	_ =	sdelay $0x3  }
0x36: {  	p1 =	seq.s32 s10, $0x1;
	s10 =	sld [smem:$0x3FB6];
	_ =	sdelay $0x3  }
0x37: {  	[smem:$0x3FB6] =	sst s10  }
0x38: {  	s10 =	sld [smem:$0x3FB7]  }
0x39: {  	_ = 	snop;
	(pc) =	sbr.ind lr, $3  }
0x3a: {  	_ = 	snop  }
0x3b: {  	_ = 	snop  }
0x3c: {  	p2 =	seq.s32 s10, $0x1;
	s10 =	sld [smem:$0x3FB6]  }
0x3d: {  	_ =	shalt  }
0x3e: {  	_ =	shalt  }
0x3f: {  	_ =	shalt  }
0x40: {  	_ =	shalt  }
0x41: {  	_ =	shalt  }
0x42: {  	_ =	shalt  }
0x43: {  	_ =	shalt  }
0x44: {  	_ =	shalt  }
0x45: {  	_ =	shalt  }
0x46: {  	_ =	shalt  }
0x47: {  	_ =	shalt  }
0x48: {  	_ =	shalt  }
0x49: {  	_ =	shalt  }
0x4a: {  	_ =	shalt  }
0x4b: {  	_ =	shalt  }
0x4c: {  	_ =	shalt  }
0x4d: {  	_ =	shalt  }
0x4e: {  	_ =	shalt  }
0x4f: {  	_ =	shalt  }
0x50: {  	_ =	shalt  }
0x51: {  	_ =	shalt  }
0x52: {  	_ =	shalt  }
0x53: {  	_ =	shalt  }
0x54: {  	_ =	shalt  }
0x55: {  	_ =	shalt  }
0x56: {  	_ =	shalt  }
0x57: {  	_ =	shalt  }
0x58: {  	_ =	shalt  }
0x59: {  	_ =	shalt  }
0x5a: {  	_ =	shalt  }
0x5b: {  	_ =	shalt  }
0x5c: {  	_ =	shalt  }
0x5d: {  	_ =	shalt  }
0x5e: {  	_ =	shalt  }
0x5f: {  	_ =	shalt  }
0x60: {  	_ =	shalt  }
0x61: {  	_ =	shalt  }
0x62: {  	_ =	shalt  }
0x63: {  	_ =	shalt  }
0x64: {  	_ =	shalt  }
0x65: {  	_ =	shalt  }
0x66: {  	_ =	shalt  }
0x67: {  	_ =	shalt  }
0x68: {  	_ =	shalt  }
0x69: {  	_ =	shalt  }
0x6a: {  	_ =	shalt  }
0x6b: {  	_ =	shalt  }
0x6c: {  	_ =	shalt  }
0x6d: {  	_ =	shalt  }
0x6e: {  	_ =	shalt  }
0x6f: {  	_ =	shalt  }
0x70: {  	_ =	shalt  }
0x71: {  	_ =	shalt  }
0x72: {  	_ =	shalt  }
0x73: {  	_ =	shalt  }
0x74: {  	_ =	shalt  }
0x75: {  	_ =	shalt  }
0x76: {  	_ =	shalt  }
0x77: {  	_ =	shalt  }
0x78: {  	_ =	shalt  }
0x79: {  	_ =	shalt  }
0x7a: {  	_ =	shalt  }
0x7b: {  	_ =	shalt  }
0x7c: {  	_ =	shalt  }
0x7d: {  	_ =	shalt  }
0x7e: {  	_ =	shalt  }
0x7f: {  	_ =	shalt  }
0x80: {  	_ =	shalt  }
0x81: {  	_ =	shalt  }
0x82: {  	_ =	shalt  }
0x83: {  	_ =	shalt  }
0x84: {  	_ =	shalt  }
0x85: {  	_ =	shalt  }
0x86: {  	_ =	shalt  }
0x87: {  	_ =	shalt  }
.Lfunc_end0:
.L_simem_size_0:
called_computation_lowered:
.L_overlay_start_0:
0x88: {  	s0 =	sld [smem:$0x3FD9]  }
0x89: {  	s1 =	sld [smem:$0x3FFE];
	_ =	sdelay $0x3  }
0x8a: {  	s0 =	sadd.s32 s1, s0  }
0x8b: {  	[smem:$0x3FC2] =	sst s0  }
0x8c: {  	_ = 	snop  }
0x8d: {  	s0 =	sld [smem:$0x3FD0];
	_ =	sdelay $0x2  }
0x8e: {  	s13 =	simm.s32 $0xA;
	s2 =	simm.s32 $0x10  }
0x8f: {  	[smem:s2], [sflag:s13] =	dma.local [hbm:s0], $0x1  }
0x90: {  	_ =	swait.eq [sflag:s13], $0x1  }
0x91: {  	[sflag:s13] =	ssyncset.done $0x0  }
0x92: {  	s14 =	sld [smem:$0x10];
	[sflag:s13] =	ssyncadd.s32 $0xFFFFFFFF  }
0x93: {  	s15 =	sld [smem:$0x11];
	(tm) =	ssettm $0x1  }
0x94: {  	s16 =	sld [smem:$0x3FFB];
	_ =	sdelay $0x3  }
0x95: {  	_ =	strace s16  }
0x96: {  	s2 =	sld [smem:$0x3FFC];
	_ =	sdelay $0x3  }
0x97: {  	_ =	strace s2  }
0x98: {  	s2 =	sld [smem:$0x3FFD];
	_ =	sdelay $0x3  }
0x99: {  	_ =	strace s2  }
0x9a: {  	_ =	strace $0x8FFFFFFF  }
0x9b: {  	s17 =	sld [smem:$0x3FDB];
	_ =	sdelay $0x1  }
0x9c: {  	s3 =	simm.s32 $_scs_section_size  }
0x9d: {  	s4 =	simm.s32 $_size__tile_overlayer_lowered;
	s5 =	simm.s32 $_tile_overlayer_lowered  }
0x9e: {  	s20 =	simm.s32 $0x1BFF;
	s19 =	sshll.u32 s5, $0x1;
	s2 =	sadd.s32 s3, s17  }
0x9f: {  	s6 =	simm.s32 $0x0;
	s18 =	sshll.u32 s4, $0x1;
	s4 =	sadd.s32 s19, s2  }
0xa0: {  	[timem:s6], [sflag:s20] =	dma.local [hbm:s4], s18  }
0xa1: {  	_ =	swait.ge [sflag:s20], s18  }
0xa2: {  	s3 =	ssub.s32 $0x0, s18;
	[sflag:s20] =	ssyncset.done $0x0  }
0xa3: {  	[sflag:s20] =	ssyncadd.s32 s3;
	_ =	sdelay $0x1  }
0xa4: {  	s21 =	simm.s32 $0x1B8B  }
0xa5: {  	_ =	swait.ge [sflag:s21], $0x1  }
0xa6: {  	[sflag:s21] =	ssyncset.done $0x0  }
0xa7: {  	s23 =	simm.s32 $0x1B8E;
	s22 =	sld [smem:$0x3FFE];
	[sflag:s21] =	ssyncadd.s32 $0xFFFFFFFF  }
0xa8: {  	s24 =	simm.s32 $execute0_lowered;
	[smem:$0x3FD2] =	sst s23  }
0xa9: {  	s4 =	sshll.u32 s24, $0x1;
	_ =	strace $0x80000046;
	[dreg:$0x1] =	wrdreg $0xFFFFFFFF  }
0xaa: {  	s25 =	simm.s32 $_size_execute0_lowered;
	s2 =	sadd.s32 s2, s4;
	[dreg:$0x0] =	wrdreg $0x0  }
0xab: {  	s4 =	sshll.u32 s25, $0x1;
	[dreg:$0x2] =	wrdreg s2  }
0xac: {  	[dreg:$0x3] =	wrdreg s4  }
0xad: {  	[dreg:$0x4] =	wrdreg $0xC0  }
0xae: {  	_ =	task [dreg:s6], $0x5FFFF  }
0xaf: {  	[dreg:$0x1] =	wrdreg $0xFFFFFFFF  }
0xb0: {  	[dreg:$0x0] =	wrdreg $0x60  }
0xb1: {  	[dreg:$0x2] =	wrdreg s22  }
0xb2: {  	[dreg:$0x3] =	wrdreg s14  }
0xb3: {  	[dreg:$0x4] =	wrdreg s15  }
0xb4: {  	[dreg:$0x5] =	wrdreg $0x9F100  }
0xb5: {  	[dreg:$0x6] =	wrdreg $0x9  }
0xb6: {  	_ =	task.clear_ibuf [dreg:s6], $0x7FFFF;
	_ =	strace $0x90000046  }
0xb7: {  	s26 =	simm.s32 $0x9;
	_ =	strace $0x80000048  }
0xb8: {  	_ =	swait.ge [sflag:s26], $0x1  }
0xb9: {  	[sflag:s26] =	ssyncadd.s32 $0xFFFFFFFF  }
0xba: {  	_ =	strace $0x90000048  }
0xbb: {  	_ =	sfence  }
0xbc: {  	s28 =	sld [smem:$0x0];
	_ =	sdelay $0x1  }
0xbd: {  	s29 =	srdreg.scid  }
0xbe: {  	s30 =	sshll.u32 s29, $0xD;
	s31 =	sshrl.u32 s29, $0x2  }
0xbf: {  	s1 =	sand.u32 $0x1, s29;
	s2 =	sand.u32 $0x4000, s30;
	s0 =	sadd.s32 s31, s28  }
0xc0: {  	s1 =	sor.u32 s2, s1;
	s0 =	sshll.u32 s0, $0x11  }
0xc1: {  	s0 =	sor.u32 s0, s1  }
0xc2: {  	s0 =	sadd.s32 $0x8F2B, s0  }
0xc3: {  	[sflag:s0] =	ssyncadd.remote.s32 $0x1  }
0xc4: {  	_ =	sfence.sel $0xFFFF  }
0xc5: {  	[dreg:$0x0] =	wrdreg $0xFFFFFFFF;
	(pc) =	sbr.abs _section_cstart, $3  }
0xc6: {  	[dreg:$0x1] =	wrdreg $0xFFFFFFFF  }
0xc7: {  	_ =	task.clear_ibuf [dreg:s6], $0x2FFFF;
	_ =	strace $0x9FFFFFFF  }
0xc8: {  	(tm) =	ssettm $0x7FFFFFFF  }
0xc9: {  	_ =	shalt  }
tec
execute0_lowered:
.L_overlay_start_1:
0x0: {  	(tag) =	ssettag $0x1  }
0x1: {  	s3 =	rddreg [dreg:$0x0]  }
0x2: {  	s8 =	rddreg [dreg:$0x1];
	s0 =	stileid.u32  }
0x3: {  	s2 =	rddreg [dreg:$0x2];
	s4 =	smul.u32 $0x1A0, s0  }
0x4: {  	s5 =	rddreg [dreg:$0x3];
	s6 =	simm.s32 $0x0  }
0x5: {  	[smem:$0x7FF] =	sst s6;
	s9 =	sadd.s32 s4, s3  }
0x6: {  	s1 =	rddreg [dreg:$0x4];
	_ =	strace $0x80000047;
	s7 =	sadd.s32 $0x2E00, s9  }
0x7: {  	[tilespmem:s6], [sflag:$0x1] =	stream.linear.gather [hbm4b:s7+s6], $0xD00, $0x38;
	[tilespmem:$0xA120] =	vst v63  }
0x8: {  	s7 =	simm.s32 $0x1  }
0x9: {  	_ =	swait.ge [sflag:s7], $0xD00  }
0xa: {  	[sflag:s7] =	ssyncset.done $0x0  }
0xb: {  	s10 =	simm.s32 $0xD00;
	s9 =	sadd.s32 $0x1400, s9;
	[sflag:s7] =	ssyncadd.s32 $0xFFFFF300  }
0xc: {  	[tilespmem:s10], [sflag:$0x1] =	stream.linear.gather [hbm4b:s9+s6], $0xD00, $0x38;
	[tilespmem:$0xA120] =	vst v63  }
0xd: {  	_ =	swait.ge [sflag:s7], $0xD00  }
0xe: {  	s13 =	sshll.u32 s0, $0xA;
	[sflag:s7] =	ssyncset.done $0x0  }
0xf: {  	s25 =	simm.s32 $0x7F10;
	s8 =	sadd.s32 s8, s13;
	[sflag:s7] =	ssyncadd.s32 $0xFFFFF300  }
0x10: {  	[tilespmem:s25], [sflag:$0x1] =	stream.linear.gather [hbm4b:s8+s6], $0x2000, $0x38;
	[tilespmem:$0xA120] =	vst v63  }
0x11: {  	_ =	swait.ge [sflag:s7], $0x2000  }
0x12: {  	[sflag:s7] =	ssyncset.done $0x0  }
0x13: {  	[sflag:s7] =	ssyncadd.s32 $0xFFFFE000  }
0x14: {  	v0 =	vld [tilespmem:$0xD00];
	_ =	sdelay $0x1  }
0x15: {  	v1 =	vld [tilespmem:$0x19F0];
	_ =	sdelay $0x2  }
0x16: {  	v0 =	vxor.u32 $0x80000000, v0  }
0x17: {  	(xrf0) =	vmin.scan.msk.u32 $0xffff, v0  }
0x18: {  	v1 =	vxor.u32 $0x80000000, v1  }
0x19: {  	(xrf0) =	vmax.scan.msk.u32 $0xffff, v1;
	_ =	sdelay $0x3  }
0x1a: {  	v0 =	vimm.f32 $0.0e+00;
	v1, _, _ =	vpop (xrf0)  }
0x1b: {  	[tilespmem:$0x7D00] =	vst v0;
	(v2sf) =	vpush v1, $0xF  }
0x1c: {  	[tilespmem:$0x7D10] =	vst v0;
	v1, _, _ =	vpop (xrf0)  }
0x1d: {  	[tilespmem:$0x7D20] =	vst v0;
	(v2sf) =	vpush v1, $0xF  }
0x1e: {  	[tilespmem:$0x7D30] =	vst v0  }
0x1f: {  	[tilespmem:$0x7D40] =	vst v0  }
0x20: {  	[tilespmem:$0x7D50] =	vst v0  }
0x21: {  	[tilespmem:$0x7D60] =	vst v0  }
0x22: {  	[tilespmem:$0x7D70] =	vst v0  }
0x23: {  	[tilespmem:$0x7D80] =	vst v0  }
0x24: {  	[tilespmem:$0x7D90] =	vst v0  }
0x25: {  	[tilespmem:$0x7DA0] =	vst v0  }
0x26: {  	[tilespmem:$0x7DB0] =	vst v0  }
0x27: {  	[tilespmem:$0x7DC0] =	vst v0  }
0x28: {  	[tilespmem:$0x7DD0] =	vst v0  }
0x29: {  	[tilespmem:$0x7DE0] =	vst v0  }
0x2a: {  	[tilespmem:$0x7DF0] =	vst v0;
	s26 =	spop (v2sf)  }
0x2b: {  	[tilespmem:$0x7E00] =	vst v0;
	s28 =	sxor.u32 $0x80000000, s26  }
0x2c: {  	[tilespmem:$0x7E10] =	vst v0;
	p1 =	sgt.s32 s26, $0xFFFFFFFF;
	s11 =	spop (v2sf);
	s8 =	sand.u32 $0xF, s26  }
0x2d: {  	[tilespmem:$0x7E20] =	vst v0;
	s29 =	sshra.s32 s28, $0x1F;
	p0 =	slt.s32 s28, $0x1;
	s12 =	sxor.u32 $0x80000000, s11  }
0x2e: {  	[tilespmem:$0x7E30] =	vst v0;
	p2 =	sgt.s32 s11, $0xFFFFFFFF;
	s11 =	sand.u32 $0xF, s11;
	p3 =	sne.s32 s8, $0x0  }
0x2f: {  	[tilespmem:$0x7E40] =	vst v0;
	p0 =	por p1, p0;
	p5 =	slt.s32 s12, $0x1;
	p6 =	sne.s32 s11, $0x0  }
0x30: {  	[tilespmem:$0x7E50] =	vst v0;
	s30 =	sshrl.u32 s29, $0x1C;
	s31 =	sshra.s32 s12, $0x1F;
	s11 =	simm.s32 $0x1  }
0x31: {  	[tilespmem:$0x7E60] =	vst v0;
	p1 =	por p2, p5;
	p0 =	por !p3, !p0;
	s8 =	sadd.s32 s30, s28  }
0x32: {  	[tilespmem:$0x7E70] =	vst v0;
	s9 =	sshrl.u32 s31, $0x1C;
	p1 =	por !p6, !p1;
	s8 =	sshra.s32 s8, $0x4  }
0x33: {  	[tilespmem:$0x7E80] =	vst v0;
	p0 =	por !p0, !p0;
	s9 =	sadd.s32 s9, s12;
	p1 =	por !p1, !p1  }
0x34: {  	[tilespmem:$0x7E90] =	vst v0;
	s11 =	simm.s32 @!p0 $0x0;
	s10 =	sshra.s32 s9, $0x4;
	s7 =	simm.s32 @!p1 $0x0  }
0x35: {  	[tilespmem:$0x7EA0] =	vst v0;
	s9 =	simm.s32 $0xFFFFFFFF;
	s11 =	ssub.s32 s8, s11;
	s7 =	ssub.s32 s10, s7  }
0x36: {  	[tilespmem:$0x7EB0] =	vst v0;
	s9 =	simm.s32 @!p0 $0x0;
	p0 =	sgt.s32 s11, s7  }
.Ltmp0:
0x37: {  	[tilespmem:$0x7EC0] =	vst v0;
	(pc) =	sbr.rel @p0 .LBB2_3-.Ltmp0, $4  }
0x38: {  	[tilespmem:$0x7ED0] =	vst v0  }
0x39: {  	s14 =	smul.u32 $0x840, s0;
	[tilespmem:$0x7EE0] =	vst v0  }
0x3a: {  	[tilespmem:$0x7EF0] =	vst v0;
	s12 =	simm.s32 $0xFFFFFFFF  }
0x3b: {  	s13 =	sadd.s32 s13, s3;
	s3 =	sshrl.u32 s14, $0x2;
	[tilespmem:$0x7F00] =	vst v0;
	s12 =	simm.s32 @!p1 $0x0  }
0x3c: {  	s14 =	sshll.u32 s11, $0x6  }
0x3d: {  	s7 =	sadd.s32 s12, s10;
	s14 =	sadd.s32 $0x4200, s14  }
0x3e: {  	s7 =	ssub.s32 s7, s8;
	s16 =	sshra.s32 s14, $0x2  }
0x3f: {  	s7 =	ssub.s32 s7, s9;
	s14 =	sadd.s32 $0x1A00, s16  }
0x40: {  	s15 =	sadd.s32 $0x1, s7;
	s7 =	sadd.s32 $0x3B00, s16;
	[tilespmem:s14+$0xFFFFEF80] =	vst v0  }
0x41: {  	[tilespmem:s7+$0xFFFFEF80] =	vst v0  }
0x42: {  	[tilespmem:s14+$0xFFFFF190] =	vst v0  }
0x43: {  	[tilespmem:s7+$0xFFFFF190] =	vst v0  }
0x44: {  	[tilespmem:s14+$0xFFFFF3A0] =	vst v0  }
0x45: {  	[tilespmem:s7+$0xFFFFF3A0] =	vst v0  }
0x46: {  	[tilespmem:s14+$0xFFFFF5B0] =	vst v0  }
0x47: {  	[tilespmem:s7+$0xFFFFF5B0] =	vst v0  }
0x48: {  	[tilespmem:s14+$0xFFFFF7C0] =	vst v0  }
0x49: {  	[tilespmem:s7+$0xFFFFF7C0] =	vst v0  }
0x4a: {  	[tilespmem:s14+$0xFFFFF9D0] =	vst v0  }
0x4b: {  	[tilespmem:s7+$0xFFFFF9D0] =	vst v0  }
0x4c: {  	[tilespmem:s14+$0xFFFFFBE0] =	vst v0  }
0x4d: {  	[tilespmem:s7+$0xFFFFFBE0] =	vst v0  }
0x4e: {  	[tilespmem:s14+$0xFFFFFDF0] =	vst v0  }
0x4f: {  	[tilespmem:s7+$0xFFFFFDF0] =	vst v0  }
0x50: {  	[tilespmem:s14+$0x0] =	vst v0  }
0x51: {  	[tilespmem:s7+$0x0] =	vst v0  }
0x52: {  	[tilespmem:s14+$0x210] =	vst v0  }
0x53: {  	[tilespmem:s7+$0x210] =	vst v0  }
0x54: {  	[tilespmem:s14+$0x420] =	vst v0  }
0x55: {  	[tilespmem:s7+$0x420] =	vst v0  }
0x56: {  	[tilespmem:s14+$0x630] =	vst v0  }
0x57: {  	[tilespmem:s7+$0x630] =	vst v0  }
0x58: {  	[tilespmem:s14+$0x840] =	vst v0  }
0x59: {  	[tilespmem:s7+$0x840] =	vst v0  }
0x5a: {  	p1 =	seq.s32 s15, $0x1;
	[tilespmem:s14+$0xA50] =	vst v0  }
.Ltmp1:
0x5b: {  	[tilespmem:s7+$0xA50] =	vst v0;
	(pc) =	sbr.rel @p1 .LBB2_3-.Ltmp1, $4  }
0x5c: {  	[tilespmem:s14+$0xC60] =	vst v0  }
0x5d: {  	[tilespmem:s7+$0xC60] =	vst v0  }
0x5e: {  	[tilespmem:s14+$0xE70] =	vst v0  }
0x5f: {  	s15 =	sadd.s32 $0xFFFFFFFF, s15;
	s14 =	sadd.s32 $0x10, s14;
	[tilespmem:s7+$0xE70] =	vst v0  }
.LBB2_2:
0x60: {  	[tilespmem:s14+$0xFFFFEF80] =	vst v0;
	p1 =	seq.s32 s15, $0x1;
	s7 =	sadd.s32 $0x10, s7  }
0x61: {  	[tilespmem:s7+$0xFFFFEF80] =	vst v0  }
0x62: {  	[tilespmem:s14+$0xFFFFF190] =	vst v0  }
0x63: {  	[tilespmem:s7+$0xFFFFF190] =	vst v0  }
0x64: {  	[tilespmem:s14+$0xFFFFF3A0] =	vst v0  }
0x65: {  	[tilespmem:s7+$0xFFFFF3A0] =	vst v0  }
0x66: {  	[tilespmem:s14+$0xFFFFF5B0] =	vst v0  }
0x67: {  	[tilespmem:s7+$0xFFFFF5B0] =	vst v0  }
0x68: {  	[tilespmem:s14+$0xFFFFF7C0] =	vst v0  }
0x69: {  	[tilespmem:s7+$0xFFFFF7C0] =	vst v0  }
0x6a: {  	[tilespmem:s14+$0xFFFFF9D0] =	vst v0  }
0x6b: {  	[tilespmem:s7+$0xFFFFF9D0] =	vst v0  }
0x6c: {  	[tilespmem:s14+$0xFFFFFBE0] =	vst v0  }
0x6d: {  	[tilespmem:s7+$0xFFFFFBE0] =	vst v0  }
0x6e: {  	[tilespmem:s14+$0xFFFFFDF0] =	vst v0  }
0x6f: {  	[tilespmem:s7+$0xFFFFFDF0] =	vst v0  }
0x70: {  	[tilespmem:s14+$0x0] =	vst v0  }
0x71: {  	[tilespmem:s7+$0x0] =	vst v0  }
0x72: {  	[tilespmem:s14+$0x210] =	vst v0  }
0x73: {  	[tilespmem:s7+$0x210] =	vst v0  }
0x74: {  	[tilespmem:s14+$0x420] =	vst v0  }
0x75: {  	[tilespmem:s7+$0x420] =	vst v0  }
0x76: {  	[tilespmem:s14+$0x630] =	vst v0  }
0x77: {  	[tilespmem:s7+$0x630] =	vst v0  }
0x78: {  	[tilespmem:s14+$0x840] =	vst v0  }
0x79: {  	[tilespmem:s7+$0x840] =	vst v0  }
0x7a: {  	[tilespmem:s14+$0xA50] =	vst v0  }
.Ltmp2:
0x7b: {  	[tilespmem:s7+$0xA50] =	vst v0;
	(pc) =	sbr.rel @!p1 .LBB2_2-.Ltmp2, $4  }
0x7c: {  	[tilespmem:s14+$0xC60] =	vst v0  }
0x7d: {  	[tilespmem:s7+$0xC60] =	vst v0  }
0x7e: {  	[tilespmem:s14+$0xE70] =	vst v0  }
0x7f: {  	s15 =	sadd.s32 $0xFFFFFFFF, s15;
	s14 =	sadd.s32 $0x10, s14;
	[tilespmem:s7+$0xE70] =	vst v0  }
.LBB2_3:
0x80: {  	s7 =	sadd.s32 s3, s5;
	s3 =	sshll.u32 s0, $0x5;
	s4 =	sadd.s32 s2, s4;
	v0 =	vlaneseq.u32  }
0x81: {  	s2 =	sadd.s32 $0x4800, s13;
	s13 =	simm.s32 $0x1A00;
	s14 =	simm.s32 $0x3B00;
	v0 =	vmul.u32 $0x210, v0  }
.LBB2_4:
0x82: {  	s15 =	sshra.s32 s6, $0x2  }
0x83: {  	v1 =	vld [tilespmem:s15+$0xD00];
	_ =	sdelay $0x4  }
0x84: {  	v1 =	vadd.s32 v0, v1;
	_ =	sdelay $0x3  }
0x85: {  	v2 =	vld [tilespmem:s15+$0x0]  }
0x86: {  	v3 =	vld.idx.msk [tilespmem:v1+s13+$0x0], $0xffff;
	_ =	sdelay $0x4  }
0x87: {  	v2 =	vadd.f32 v3, v2;
	_ =	sdelay $0x1  }
0x88: {  	[tilespmem:v1+s13+$0x0] =	vst.idx.msk $0xffff, v2  }
0x89: {  	v1 =	vld [tilespmem:s15+$0xD10];
	_ =	sdelay $0x4  }
0x8a: {  	v1 =	vadd.s32 v0, v1;
	_ =	sdelay $0x3  }
0x8b: {  	v2 =	vld [tilespmem:s15+$0x10]  }
0x8c: {  	v3 =	vld.idx.msk [tilespmem:v1+s14+$0x0], $0xffff;
	_ =	sdelay $0x1  }
0x8d: {  	p1 =	seq.s32 s6, $0x3380  }
.Ltmp3:
0x8e: {  	_ = 	snop;
	(pc) =	sbr.rel @!p1 .LBB2_4-.Ltmp3, $3  }
0x8f: {  	_ = 	snop  }
0x90: {  	v2 =	vadd.f32 v3, v2;
	_ =	sdelay $0x1  }
0x91: {  	s6 =	sadd.s32 $0x80, s6;
	[tilespmem:v1+s14+$0x0] =	vst.idx.msk $0xffff, v2  }
.Ltmp4:
0x92: {  	(pc) =	sbr.rel @!p0 .LBB2_6-.Ltmp4, $1  }
0x93: {  	_ =	sdelay $0x3  }
0x94: {  	s6 =	simm.s32 $0x7D00;
	s30 =	simm.s32 $0x1  }
0x95: {  	[spmem:s7] =	stream.linear.scatter [tilespmem:s6], [sflag:$0x1], $0x210, $0x38;
	[tilespmem:$0xA120] =	vst v63  }
0x96: {  	_ =	swait.ge [sflag:s30], $0x210  }
0x97: {  	[sflag:s30] =	ssyncset.done $0x0  }
0x98: {  	[sflag:s30] =	ssyncadd.s32 $0xFFFFFDF0  }
.Ltmp5:
0x99: {  	s31 =	simm.s32 $0x5C00;
	[bflag:$0x0] =	sbarrier.arrive $0xFFFF;
	(pc) =	sbr.rel .LBB2_16-.Ltmp5, $4  }
0x9a: {  	[tilespmem:s31], [sflag:$0x1] =	stream.linear.gather [spmem:s5], $0x2100, $0x38;
	[tilespmem:$0xA120] =	vst v63  }
0x9b: {  	_ =	swait.ge [sflag:s30], $0x2100  }
0x9c: {  	[sflag:s30] =	ssyncset.done $0x0  }
0x9d: {  	[sflag:s30] =	ssyncadd.s32 $0xFFFFDF00  }
.LBB2_6:
0x9e: {  	s6 =	sadd.s32 s12, s10  }
0x9f: {  	s6 =	ssub.s32 s6, s8  }
0xa0: {  	s29 =	sshll.u32 s11, $0x6;
	s6 =	ssub.s32 s6, s9  }
0xa1: {  	s30 =	sadd.s32 $0x4200, s29;
	s9 =	sadd.s32 $0x1, s6  }
0xa2: {  	s10 =	sshra.s32 s30, $0x2;
	p1 =	sne.s32 s9, $0x1  }
.Ltmp6:
0xa3: {  	s12 =	sadd.s32 $0x3B00, s10;
	(pc) =	sbr.rel @!p1 .LBB2_7-.Ltmp6, $4  }
0xa4: {  	s11 =	sadd.s32 $0x1A00, s10;
	v0 =	vld [tilespmem:s12+$0xFFFFEF80]  }
0xa5: {  	v1 =	vld [tilespmem:s11+$0xFFFFEF80]  }
0xa6: {  	s31 =	sshra.s32 s29, $0x2;
	v2 =	vld [tilespmem:s11+$0xFFFFF190]  }
0xa7: {  	p0 =	por $0x0, $0x0;
	s6 =	sadd.s32 $0x7D00, s31;
	v3 =	vld [tilespmem:s12+$0xFFFFF190];
	s8 =	sadd.s32 $0xFFFFFFFF, s9  }
0xa8: {  	v4 =	vld [tilespmem:s11+$0xFFFFF3A0]  }
0xa9: {  	v5 =	vld [tilespmem:s12+$0xFFFFF3A0]  }
0xaa: {  	v6 =	vld [tilespmem:s11+$0xFFFFF5B0]  }
0xab: {  	v7 =	vld [tilespmem:s12+$0xFFFFF5B0]  }
0xac: {  	v0 =	vadd.f32 v0, v1;
	v1 =	vadd.f32 v3, v2;
	v2 =	vld [tilespmem:s11+$0xFFFFF7C0]  }
0xad: {  	v3 =	vld [tilespmem:s12+$0xFFFFF7C0]  }
0xae: {  	v0 =	vadd.f32 v1, v0;
	v1 =	vadd.f32 v5, v4;
	v4 =	vld [tilespmem:s11+$0xFFFFF9D0]  }
0xaf: {  	v5 =	vld [tilespmem:s12+$0xFFFFF9D0]  }
0xb0: {  	v56 =	vld [tilespmem:s11+$0xFFFFFBE0];
	v0 =	vadd.f32 v1, v0;
	v1 =	vadd.f32 v7, v6  }
0xb1: {  	v57 =	vld [tilespmem:s12+$0xFFFFFBE0]  }
0xb2: {  	v0 =	vadd.f32 v1, v0;
	v1 =	vadd.f32 v3, v2;
	v2 =	vld [tilespmem:s11+$0xFFFFFDF0]  }
0xb3: {  	v3 =	vld [tilespmem:s12+$0xFFFFFDF0]  }
0xb4: {  	v0 =	vadd.f32 v1, v0;
	v1 =	vadd.f32 v5, v4;
	v4 =	vld [tilespmem:s11+$0x0]  }
0xb5: {  	v5 =	vld [tilespmem:s12+$0x0]  }
0xb6: {  	v58 =	vld [tilespmem:s11+$0x210];
	v0 =	vadd.f32 v1, v0;
	v1 =	vadd.f32 v57, v56  }
0xb7: {  	v59 =	vld [tilespmem:s12+$0x210]  }
0xb8: {  	v0 =	vadd.f32 v1, v0;
	v1 =	vadd.f32 v3, v2;
	v2 =	vld [tilespmem:s11+$0x420]  }
0xb9: {  	v3 =	vld [tilespmem:s12+$0x420]  }
0xba: {  	v0 =	vadd.f32 v1, v0;
	v1 =	vadd.f32 v5, v4;
	v4 =	vld [tilespmem:s11+$0x630]  }
0xbb: {  	v5 =	vld [tilespmem:s12+$0x630]  }
0xbc: {  	v60 =	vld [tilespmem:s11+$0x840];
	v0 =	vadd.f32 v1, v0;
	v1 =	vadd.f32 v59, v58  }
0xbd: {  	v61 =	vld [tilespmem:s12+$0x840]  }
0xbe: {  	v0 =	vadd.f32 v1, v0;
	v1 =	vadd.f32 v3, v2;
	v2 =	vld [tilespmem:s11+$0xA50]  }
0xbf: {  	v3 =	vld [tilespmem:s12+$0xA50]  }
0xc0: {  	v0 =	vadd.f32 v1, v0;
	v1 =	vadd.f32 v5, v4;
	v4 =	vld [tilespmem:s11+$0xC60]  }
0xc1: {  	v5 =	vld [tilespmem:s12+$0xC60]  }
0xc2: {  	v62 =	vld [tilespmem:s11+$0xE70];
	v0 =	vadd.f32 v1, v0;
	v1 =	vadd.f32 v61, v60  }
0xc3: {  	v63 =	vld [tilespmem:s12+$0xE70]  }
0xc4: {  	v0 =	vadd.f32 v1, v0;
	v1 =	vadd.f32 v3, v2;
	_ =	sdelay $0x1  }
0xc5: {  	v0 =	vadd.f32 v1, v0;
	v1 =	vadd.f32 v5, v4;
	_ =	sdelay $0x1  }
0xc6: {  	v0 =	vadd.f32 v1, v0;
	v1 =	vadd.f32 v63, v62;
	_ =	sdelay $0x1  }
0xc7: {  	v0 =	vadd.f32 v1, v0  }
0xc8: {  	p2 =	sne.s32 s8, $0x1  }
.Ltmp7:
0xc9: {  	s12 =	sadd.s32 $0x10, s12;
	[tilespmem:s6+$0x0] =	vst v0;
	(pc) =	sbr.rel @!p2 .LBB2_10-.Ltmp7, $4  }
0xca: {  	s11 =	sadd.s32 $0x10, s11;
	v0 =	vld [tilespmem:s12+$0xFFFFEF80]  }
0xcb: {  	v1 =	vld [tilespmem:s11+$0xFFFFEF80]  }
0xcc: {  	v2 =	vld [tilespmem:s11+$0xFFFFF190]  }
0xcd: {  	s14 =	sadd.s32 $0xFFFFFFFF, s8;
	p1 =	por $0x1, $0x1;
	s13 =	smov.u32 s6;
	v3 =	vld [tilespmem:s12+$0xFFFFF190]  }
.LBB2_9:
0xce: {  	p2 =	sne.s32 s14, $0x1;
	v4 =	vld [tilespmem:s11+$0xFFFFF3A0]  }
0xcf: {  	v5 =	vld [tilespmem:s12+$0xFFFFF3A0]  }
0xd0: {  	v6 =	vld [tilespmem:s11+$0xFFFFF5B0]  }
0xd1: {  	v7 =	vld [tilespmem:s12+$0xFFFFF5B0]  }
0xd2: {  	v0 =	vadd.f32 v0, v1;
	v1 =	vadd.f32 v3, v2;
	v2 =	vld [tilespmem:s11+$0xFFFFF7C0]  }
0xd3: {  	v3 =	vld [tilespmem:s12+$0xFFFFF7C0]  }
0xd4: {  	v0 =	vadd.f32 v1, v0;
	v1 =	vadd.f32 v5, v4;
	v4 =	vld [tilespmem:s11+$0xFFFFF9D0]  }
0xd5: {  	v5 =	vld [tilespmem:s12+$0xFFFFF9D0]  }
0xd6: {  	v0 =	vadd.f32 v1, v0;
	v1 =	vadd.f32 v7, v6;
	v6 =	vld [tilespmem:s11+$0xFFFFFBE0]  }
0xd7: {  	v7 =	vld [tilespmem:s12+$0xFFFFFBE0]  }
0xd8: {  	v0 =	vadd.f32 v1, v0;
	v1 =	vadd.f32 v3, v2;
	v2 =	vld [tilespmem:s11+$0xFFFFFDF0]  }
0xd9: {  	v3 =	vld [tilespmem:s12+$0xFFFFFDF0]  }
0xda: {  	v0 =	vadd.f32 v1, v0;
	v1 =	vadd.f32 v5, v4;
	v4 =	vld [tilespmem:s11+$0x0]  }
0xdb: {  	v5 =	vld [tilespmem:s12+$0x0]  }
0xdc: {  	v0 =	vadd.f32 v1, v0;
	v1 =	vadd.f32 v7, v6;
	v6 =	vld [tilespmem:s11+$0x210]  }
0xdd: {  	v7 =	vld [tilespmem:s12+$0x210]  }
0xde: {  	v0 =	vadd.f32 v1, v0;
	v1 =	vadd.f32 v3, v2;
	v2 =	vld [tilespmem:s11+$0x420]  }
0xdf: {  	v3 =	vld [tilespmem:s12+$0x420]  }
0xe0: {  	v0 =	vadd.f32 v1, v0;
	v1 =	vadd.f32 v5, v4;
	v4 =	vld [tilespmem:s11+$0x630]  }
0xe1: {  	v5 =	vld [tilespmem:s12+$0x630]  }
0xe2: {  	v0 =	vadd.f32 v1, v0;
	v1 =	vadd.f32 v7, v6;
	v6 =	vld [tilespmem:s11+$0x840]  }
0xe3: {  	v7 =	vld [tilespmem:s12+$0x840]  }
0xe4: {  	v0 =	vadd.f32 v1, v0;
	v1 =	vadd.f32 v3, v2;
	v2 =	vld [tilespmem:s11+$0xA50]  }
0xe5: {  	v3 =	vld [tilespmem:s12+$0xA50]  }
0xe6: {  	v0 =	vadd.f32 v1, v0;
	v1 =	vadd.f32 v5, v4;
	v4 =	vld [tilespmem:s11+$0xC60]  }
0xe7: {  	v5 =	vld [tilespmem:s12+$0xC60]  }
0xe8: {  	v0 =	vadd.f32 v1, v0;
	v1 =	vadd.f32 v7, v6;
	v6 =	vld [tilespmem:s11+$0xE70]  }
0xe9: {  	v7 =	vld [tilespmem:s12+$0xE70]  }
0xea: {  	v0 =	vadd.f32 v1, v0;
	v1 =	vadd.f32 v3, v2;
	_ =	sdelay $0x1  }
0xeb: {  	v0 =	vadd.f32 v1, v0;
	v1 =	vadd.f32 v5, v4;
	_ =	sdelay $0x1  }
0xec: {  	v0 =	vadd.f32 v1, v0;
	v1 =	vadd.f32 v7, v6;
	_ =	sdelay $0x1  }
0xed: {  	v0 =	vadd.f32 v1, v0  }
0xee: {  	s13 =	sadd.s32 $0x10, s13  }
.Ltmp8:
0xef: {  	s12 =	sadd.s32 $0x10, s12;
	[tilespmem:s13+$0x0] =	vst v0;
	(pc) =	sbr.rel @p2 .LBB2_9-.Ltmp8, $4  }
0xf0: {  	s11 =	sadd.s32 $0x10, s11;
	v0 =	vld [tilespmem:s12+$0xFFFFEF80]  }
0xf1: {  	v1 =	vld [tilespmem:s11+$0xFFFFEF80]  }
0xf2: {  	v2 =	vld [tilespmem:s11+$0xFFFFF190]  }
0xf3: {  	s14 =	sadd.s32 $0xFFFFFFFF, s14;
	v3 =	vld [tilespmem:s12+$0xFFFFF190]  }
.LBB2_10:
0xf4: {  	v4 =	vld [tilespmem:s11+$0xFFFFF3A0]  }
0xf5: {  	v5 =	vld [tilespmem:s12+$0xFFFFF3A0]  }
0xf6: {  	v6 =	vld [tilespmem:s11+$0xFFFFF5B0]  }
0xf7: {  	v7 =	vld [tilespmem:s12+$0xFFFFF5B0]  }
0xf8: {  	v0 =	vadd.f32 v0, v1;
	v1 =	vadd.f32 v3, v2;
	v2 =	vld [tilespmem:s11+$0xFFFFF7C0]  }
0xf9: {  	v3 =	vld [tilespmem:s12+$0xFFFFF7C0]  }
0xfa: {  	v48 =	vld [tilespmem:s11+$0xFFFFF9D0];
	v0 =	vadd.f32 v1, v0;
	v1 =	vadd.f32 v5, v4  }
0xfb: {  	v49 =	vld [tilespmem:s12+$0xFFFFF9D0]  }
0xfc: {  	v50 =	vld [tilespmem:s11+$0xFFFFFBE0];
	v0 =	vadd.f32 v1, v0;
	v1 =	vadd.f32 v7, v6  }
0xfd: {  	v51 =	vld [tilespmem:s12+$0xFFFFFBE0]  }
0xfe: {  	v0 =	vadd.f32 v1, v0;
	v1 =	vadd.f32 v3, v2;
	v2 =	vld [tilespmem:s11+$0xFFFFFDF0]  }
0xff: {  	v3 =	vld [tilespmem:s12+$0xFFFFFDF0]  }
0x100: {  	v52 =	vld [tilespmem:s11+$0x0];
	v0 =	vadd.f32 v1, v0;
	v1 =	vadd.f32 v49, v48  }
0x101: {  	v53 =	vld [tilespmem:s12+$0x0]  }
0x102: {  	v54 =	vld [tilespmem:s11+$0x210];
	v0 =	vadd.f32 v1, v0;
	v1 =	vadd.f32 v51, v50  }
0x103: {  	v55 =	vld [tilespmem:s12+$0x210]  }
0x104: {  	v0 =	vadd.f32 v1, v0;
	v1 =	vadd.f32 v3, v2;
	v2 =	vld [tilespmem:s11+$0x420]  }
0x105: {  	v3 =	vld [tilespmem:s12+$0x420]  }
0x106: {  	v56 =	vld [tilespmem:s11+$0x630];
	v0 =	vadd.f32 v1, v0;
	v1 =	vadd.f32 v53, v52  }
0x107: {  	v57 =	vld [tilespmem:s12+$0x630]  }
0x108: {  	v58 =	vld [tilespmem:s11+$0x840];
	v0 =	vadd.f32 v1, v0;
	v1 =	vadd.f32 v55, v54  }
0x109: {  	v59 =	vld [tilespmem:s12+$0x840]  }
0x10a: {  	v0 =	vadd.f32 v1, v0;
	v1 =	vadd.f32 v3, v2;
	v2 =	vld [tilespmem:s11+$0xA50]  }
0x10b: {  	v3 =	vld [tilespmem:s12+$0xA50]  }
0x10c: {  	v60 =	vld [tilespmem:s11+$0xC60];
	v0 =	vadd.f32 v1, v0;
	v1 =	vadd.f32 v57, v56  }
0x10d: {  	v61 =	vld [tilespmem:s12+$0xC60]  }
0x10e: {  	v62 =	vld [tilespmem:s11+$0xE70];
	v0 =	vadd.f32 v1, v0;
	v1 =	vadd.f32 v59, v58  }
0x10f: {  	v63 =	vld [tilespmem:s12+$0xE70]  }
0x110: {  	v0 =	vadd.f32 v1, v0;
	v1 =	vadd.f32 v3, v2;
	_ =	sdelay $0x1  }
0x111: {  	v0 =	vadd.f32 v1, v0;
	v1 =	vadd.f32 v61, v60;
	_ =	sdelay $0x1  }
0x112: {  	v0 =	vadd.f32 v1, v0;
	v1 =	vadd.f32 v63, v62;
	_ =	sdelay $0x1  }
0x113: {  	s11 =	sadd.s32 @p1 $0x10, s13;
	s12 =	smov.u32 s6;
	v0 =	vadd.f32 v1, v0  }
0x114: {  	s12 =	smov.u32 @p1 s11  }
0x115: {  	s29 =	simm.s32 $0x7D00;
	s30 =	simm.s32 $0x1;
	[tilespmem:s12+$0x0] =	vst v0  }
0x116: {  	[spmem:s7] =	stream.linear.scatter [tilespmem:s29], [sflag:$0x1], $0x210, $0x38;
	[tilespmem:$0xA120] =	vst v63  }
0x117: {  	_ =	swait.ge [sflag:s30], $0x210  }
0x118: {  	[sflag:s30] =	ssyncset.done $0x0  }
0x119: {  	[sflag:s30] =	ssyncadd.s32 $0xFFFFFDF0  }
0x11a: {  	s31 =	simm.s32 $0x5C00;
	p1 =	seq.s32 s9, $0x1;
	[bflag:$0x0] =	sbarrier.arrive $0xFFFF  }
0x11b: {  	[tilespmem:s31], [sflag:$0x1] =	stream.linear.gather [spmem:s5], $0x2100, $0x38;
	[tilespmem:$0xA120] =	vst v63  }
.Ltmp9:
0x11c: {  	_ =	swait.ge [sflag:s30], $0x2100;
	(pc) =	sbr.rel @p1 .LBB2_11-.Ltmp9, $4  }
0x11d: {  	[sflag:s30] =	ssyncset.done $0x0  }
0x11e: {  	s5 =	sadd.s32 $0x5C00, s10;
	[sflag:s30] =	ssyncadd.s32 $0xFFFFDF00  }
0x11f: {  	v0 =	vld [tilespmem:s5+$0xFFFFF190]  }
0x120: {  	v1 =	vld [tilespmem:s5+$0xFFFFEF80]  }
0x121: {  	_ = 	snop  }
0x122: {  	v2 =	vld [tilespmem:s5+$0xFFFFF3A0];
	_ =	sdelay $0x1  }
0x123: {  	v3 =	vld [tilespmem:s5+$0xFFFFF5B0]  }
0x124: {  	v0 =	vadd.f32 v0, v1  }
0x125: {  	v1 =	vld [tilespmem:s5+$0xFFFFF7C0]  }
0x126: {  	v0 =	vadd.f32 v2, v0  }
0x127: {  	v2 =	vld [tilespmem:s5+$0xFFFFF9D0]  }
0x128: {  	v0 =	vadd.f32 v3, v0  }
0x129: {  	v3 =	vld [tilespmem:s5+$0xFFFFFBE0]  }
0x12a: {  	v0 =	vadd.f32 v1, v0  }
0x12b: {  	v1 =	vld [tilespmem:s5+$0xFFFFFDF0]  }
0x12c: {  	v0 =	vadd.f32 v2, v0  }
0x12d: {  	v2 =	vld [tilespmem:s5+$0x0]  }
0x12e: {  	v0 =	vadd.f32 v3, v0  }
0x12f: {  	v3 =	vld [tilespmem:s5+$0x210]  }
0x130: {  	v0 =	vadd.f32 v1, v0  }
0x131: {  	v1 =	vld [tilespmem:s5+$0x420]  }
0x132: {  	v0 =	vadd.f32 v2, v0  }
0x133: {  	v2 =	vld [tilespmem:s5+$0x630]  }
0x134: {  	v0 =	vadd.f32 v3, v0  }
0x135: {  	v3 =	vld [tilespmem:s5+$0x840]  }
0x136: {  	v0 =	vadd.f32 v1, v0  }
0x137: {  	v1 =	vld [tilespmem:s5+$0xA50]  }
0x138: {  	v0 =	vadd.f32 v2, v0  }
0x139: {  	v2 =	vld [tilespmem:s5+$0xC60]  }
0x13a: {  	v0 =	vadd.f32 v3, v0  }
0x13b: {  	v3 =	vld [tilespmem:s5+$0xE70]  }
0x13c: {  	v0 =	vadd.f32 v1, v0;
	_ =	sdelay $0x1  }
0x13d: {  	v0 =	vadd.f32 v2, v0  }
0x13e: {  	p1 =	seq.s32 s8, $0x1  }
.Ltmp10:
0x13f: {  	v0 =	vadd.f32 v3, v0;
	(pc) =	sbr.rel @p1 .LBB2_14-.Ltmp10, $4  }
0x140: {  	_ = 	snop  }
0x141: {  	s5 =	sadd.s32 $0x10, s5;
	[tilespmem:s6+$0x0] =	vst v0  }
0x142: {  	v0 =	vld [tilespmem:s5+$0xFFFFF190]  }
0x143: {  	s8 =	sadd.s32 $0xFFFFFFFF, s8;
	p0 =	por $0x1, $0x1;
	s7 =	smov.u32 s6;
	v1 =	vld [tilespmem:s5+$0xFFFFEF80]  }
.LBB2_13:
0x144: {  	p1 =	seq.s32 s8, $0x1  }
0x145: {  	v2 =	vld [tilespmem:s5+$0xFFFFF3A0];
	_ =	sdelay $0x1  }
0x146: {  	v3 =	vld [tilespmem:s5+$0xFFFFF5B0]  }
0x147: {  	v0 =	vadd.f32 v0, v1  }
0x148: {  	v1 =	vld [tilespmem:s5+$0xFFFFF7C0]  }
0x149: {  	v0 =	vadd.f32 v2, v0  }
0x14a: {  	v2 =	vld [tilespmem:s5+$0xFFFFF9D0]  }
0x14b: {  	v0 =	vadd.f32 v3, v0  }
0x14c: {  	v3 =	vld [tilespmem:s5+$0xFFFFFBE0]  }
0x14d: {  	v0 =	vadd.f32 v1, v0  }
0x14e: {  	v1 =	vld [tilespmem:s5+$0xFFFFFDF0]  }
0x14f: {  	v0 =	vadd.f32 v2, v0  }
0x150: {  	v2 =	vld [tilespmem:s5+$0x0]  }
0x151: {  	v0 =	vadd.f32 v3, v0  }
0x152: {  	v3 =	vld [tilespmem:s5+$0x210]  }
0x153: {  	v0 =	vadd.f32 v1, v0  }
0x154: {  	v1 =	vld [tilespmem:s5+$0x420]  }
0x155: {  	v0 =	vadd.f32 v2, v0  }
0x156: {  	v2 =	vld [tilespmem:s5+$0x630]  }
0x157: {  	v0 =	vadd.f32 v3, v0  }
0x158: {  	v3 =	vld [tilespmem:s5+$0x840]  }
0x159: {  	v0 =	vadd.f32 v1, v0  }
0x15a: {  	v1 =	vld [tilespmem:s5+$0xA50]  }
0x15b: {  	v0 =	vadd.f32 v2, v0  }
0x15c: {  	v2 =	vld [tilespmem:s5+$0xC60]  }
0x15d: {  	v0 =	vadd.f32 v3, v0  }
0x15e: {  	v3 =	vld [tilespmem:s5+$0xE70]  }
0x15f: {  	v0 =	vadd.f32 v1, v0;
	_ =	sdelay $0x1  }
0x160: {  	v0 =	vadd.f32 v2, v0;
	_ =	sdelay $0x1  }
.Ltmp11:
0x161: {  	v0 =	vadd.f32 v3, v0;
	(pc) =	sbr.rel @!p1 .LBB2_13-.Ltmp11, $4  }
0x162: {  	s7 =	sadd.s32 $0x10, s7  }
0x163: {  	s5 =	sadd.s32 $0x10, s5;
	[tilespmem:s7+$0x0] =	vst v0  }
0x164: {  	v0 =	vld [tilespmem:s5+$0xFFFFF190]  }
0x165: {  	s8 =	sadd.s32 $0xFFFFFFFF, s8;
	v1 =	vld [tilespmem:s5+$0xFFFFEF80]  }
.LBB2_14:
0x166: {  	_ = 	snop  }
0x167: {  	v2 =	vld [tilespmem:s5+$0xFFFFF3A0];
	_ =	sdelay $0x1  }
0x168: {  	v3 =	vld [tilespmem:s5+$0xFFFFF5B0]  }
0x169: {  	v0 =	vadd.f32 v0, v1  }
0x16a: {  	v52 =	vld [tilespmem:s5+$0xFFFFF7C0]  }
0x16b: {  	v0 =	vadd.f32 v2, v0  }
0x16c: {  	v53 =	vld [tilespmem:s5+$0xFFFFF9D0]  }
0x16d: {  	v0 =	vadd.f32 v3, v0  }
0x16e: {  	v54 =	vld [tilespmem:s5+$0xFFFFFBE0]  }
0x16f: {  	v0 =	vadd.f32 v52, v0  }
0x170: {  	v55 =	vld [tilespmem:s5+$0xFFFFFDF0]  }
0x171: {  	v0 =	vadd.f32 v53, v0  }
0x172: {  	v56 =	vld [tilespmem:s5+$0x0]  }
0x173: {  	v0 =	vadd.f32 v54, v0  }
0x174: {  	v57 =	vld [tilespmem:s5+$0x210]  }
0x175: {  	v0 =	vadd.f32 v55, v0  }
0x176: {  	v58 =	vld [tilespmem:s5+$0x420]  }
0x177: {  	v0 =	vadd.f32 v56, v0  }
0x178: {  	v59 =	vld [tilespmem:s5+$0x630]  }
0x179: {  	v0 =	vadd.f32 v57, v0  }
0x17a: {  	v60 =	vld [tilespmem:s5+$0x840]  }
0x17b: {  	v0 =	vadd.f32 v58, v0  }
0x17c: {  	v61 =	vld [tilespmem:s5+$0xA50]  }
0x17d: {  	v0 =	vadd.f32 v59, v0  }
0x17e: {  	v62 =	vld [tilespmem:s5+$0xC60]  }
0x17f: {  	v0 =	vadd.f32 v60, v0  }
0x180: {  	v63 =	vld [tilespmem:s5+$0xE70]  }
0x181: {  	v0 =	vadd.f32 v61, v0;
	_ =	sdelay $0x1  }
0x182: {  	v0 =	vadd.f32 v62, v0;
	_ =	sdelay $0x1  }
0x183: {  	s5 =	sadd.s32 @p0 $0x10, s7;
	v0 =	vadd.f32 v63, v0  }
0x184: {  	s6 =	smov.u32 @p0 s5  }
0x185: {  	[tilespmem:s6+$0x0] =	vst v0  }
.LBB2_16:
0x186: {  	v0 =	vld [tilespmem:s3+$0x5C00]  }
0x187: {  	v1 =	vld [tilespmem:s3+$0x5E10];
	_ =	sdelay $0x1  }
0x188: {  	v2 =	vld [tilespmem:s3+$0x6020];
	_ =	sdelay $0x1  }
0x189: {  	v3 =	vld [tilespmem:s3+$0x6230]  }
0x18a: {  	v0 =	vadd.f32 v1, v0  }
0x18b: {  	v1 =	vld [tilespmem:s3+$0x6440]  }
0x18c: {  	v0 =	vadd.f32 v2, v0  }
0x18d: {  	v2 =	vld [tilespmem:s3+$0x6650]  }
0x18e: {  	v0 =	vadd.f32 v3, v0  }
0x18f: {  	v3 =	vld [tilespmem:s3+$0x6860]  }
0x190: {  	v0 =	vadd.f32 v1, v0  }
0x191: {  	v1 =	vld [tilespmem:s3+$0x6A70]  }
0x192: {  	v0 =	vadd.f32 v2, v0  }
0x193: {  	v2 =	vld [tilespmem:s3+$0x6C80]  }
0x194: {  	v0 =	vadd.f32 v3, v0  }
0x195: {  	v3 =	vld [tilespmem:s3+$0x6E90]  }
0x196: {  	v0 =	vadd.f32 v1, v0  }
0x197: {  	v1 =	vld [tilespmem:s3+$0x70A0]  }
0x198: {  	v0 =	vadd.f32 v2, v0  }
0x199: {  	v2 =	vld [tilespmem:s3+$0x72B0]  }
0x19a: {  	v0 =	vadd.f32 v3, v0  }
0x19b: {  	v3 =	vld [tilespmem:s3+$0x74C0]  }
0x19c: {  	v0 =	vadd.f32 v1, v0  }
0x19d: {  	v1 =	vld [tilespmem:s3+$0x76D0]  }
0x19e: {  	v0 =	vadd.f32 v2, v0  }
0x19f: {  	v2 =	vld [tilespmem:s3+$0x78E0]  }
0x1a0: {  	v0 =	vadd.f32 v3, v0  }
0x1a1: {  	v3 =	vld [tilespmem:s3+$0x7AF0]  }
0x1a2: {  	v0 =	vadd.f32 v1, v0;
	_ =	sdelay $0x1  }
0x1a3: {  	v0 =	vadd.f32 v2, v0;
	_ =	sdelay $0x1  }
0x1a4: {  	v0 =	vadd.f32 v3, v0;
	_ =	sdelay $0x1  }
0x1a5: {  	s5 =	sor.u32 $0x5C10, s3;
	v1 =	vld [tilespmem:s3+$0x5E20];
	[tilespmem:s3+$0x7D00] =	vst v0  }
0x1a6: {  	v0 =	vld [tilespmem:s5+$0x0];
	_ =	sdelay $0x1  }
0x1a7: {  	v2 =	vld [tilespmem:s3+$0x6030];
	_ =	sdelay $0x1  }
0x1a8: {  	v3 =	vld [tilespmem:s3+$0x6240]  }
0x1a9: {  	v0 =	vadd.f32 v1, v0  }
0x1aa: {  	v1 =	vld [tilespmem:s3+$0x6450]  }
0x1ab: {  	v0 =	vadd.f32 v2, v0  }
0x1ac: {  	v2 =	vld [tilespmem:s3+$0x6660]  }
0x1ad: {  	v0 =	vadd.f32 v3, v0  }
0x1ae: {  	v3 =	vld [tilespmem:s3+$0x6870]  }
0x1af: {  	v0 =	vadd.f32 v1, v0  }
0x1b0: {  	v1 =	vld [tilespmem:s3+$0x6A80]  }
0x1b1: {  	v0 =	vadd.f32 v2, v0  }
0x1b2: {  	v2 =	vld [tilespmem:s3+$0x6C90]  }
0x1b3: {  	v0 =	vadd.f32 v3, v0  }
0x1b4: {  	v3 =	vld [tilespmem:s3+$0x6EA0]  }
0x1b5: {  	v0 =	vadd.f32 v1, v0  }
0x1b6: {  	v1 =	vld [tilespmem:s3+$0x70B0]  }
0x1b7: {  	v0 =	vadd.f32 v2, v0  }
0x1b8: {  	v2 =	vld [tilespmem:s3+$0x72C0]  }
0x1b9: {  	v0 =	vadd.f32 v3, v0  }
0x1ba: {  	v3 =	vld [tilespmem:s3+$0x74D0]  }
0x1bb: {  	v0 =	vadd.f32 v1, v0  }
0x1bc: {  	v1 =	vld [tilespmem:s3+$0x76E0]  }
0x1bd: {  	v0 =	vadd.f32 v2, v0  }
0x1be: {  	v2 =	vld [tilespmem:s3+$0x78F0]  }
0x1bf: {  	v0 =	vadd.f32 v3, v0  }
0x1c0: {  	v3 =	vld [tilespmem:s3+$0x7B00]  }
0x1c1: {  	v0 =	vadd.f32 v1, v0;
	_ =	sdelay $0x1  }
0x1c2: {  	v0 =	vadd.f32 v2, v0;
	_ =	sdelay $0x1  }
0x1c3: {  	v0 =	vadd.f32 v3, v0;
	_ =	sdelay $0x1  }
0x1c4: {  	s6 =	simm.s32 $0x0;
	[tilespmem:s3+$0x7D10] =	vst v0  }
0x1c5: {  	v1 =	vld [tilespmem:s6+$0xD00];
	_ =	sdelay $0x6  }
0x1c6: {  	s5 =	simm.s32 $0x7D00  }
0x1c7: {  	v0 =	vld.idx.msk [tilespmem:v1+s5+$0x0], $0xffff;
	_ =	sdelay $0x4  }
0x1c8: {  	(erf) = vrcp.f32 v0;
	_ =	sdelay $0x4  }
0x1c9: {  	v2 =	vld [tilespmem:s6+$0x0]  }
0x1ca: {  	v0 =	vld [tilespmem:s6+$0xD10];
	_ =	sdelay $0x2  }
0x1cb: {  	v3 =	vpop (erf)  }
0x1cc: {  	v2 =	vmul.f32 v3, v2  }
0x1cd: {  	vm0 =	vgt.s32 v1, $0x1FF  }
0x1ce: {  	v1 =	vsel vm0, $0x0, v2  }
0x1cf: {  	[tilespmem:s6+$0x0] =	vst v1  }
0x1d0: {  	v1 =	vld.idx.msk [tilespmem:v0+s5+$0x0], $0xffff;
	_ =	sdelay $0x4  }
0x1d1: {  	(erf) = vrcp.f32 v1;
	_ =	sdelay $0x4  }
0x1d2: {  	s8 =	simm.s32 $0x20;
	s7 =	simm.s32 $0x100;
	v1 =	vld [tilespmem:s6+$0x10]  }
.LBB2_17:
0x1d3: {  	p0 =	sne.s32 s7, $0x3380;
	v2 =	vld [tilespmem:s8+$0xD00];
	_ =	sdelay $0x2  }
0x1d4: {  	v3 =	vpop (erf)  }
0x1d5: {  	v1 =	vmul.f32 v3, v1  }
0x1d6: {  	vm0 =	vgt.s32 v0, $0x1FF  }
0x1d7: {  	v0 =	vsel vm0, $0x0, v1  }
0x1d8: {  	[tilespmem:s6+$0x10] =	vst v0;
	s6 =	smov.u32 s8  }
0x1d9: {  	v0 =	vld.idx.msk [tilespmem:v2+s5+$0x0], $0xffff;
	_ =	sdelay $0x5  }
0x1da: {  	(erf) = vrcp.f32 v0;
	_ =	sdelay $0x4  }
0x1db: {  	v1 =	vld [tilespmem:s6+$0x0]  }
0x1dc: {  	v0 =	vld [tilespmem:s6+$0xD10];
	_ =	sdelay $0x2  }
0x1dd: {  	v3 =	vpop (erf)  }
0x1de: {  	v1 =	vmul.f32 v3, v1  }
0x1df: {  	vm0 =	vgt.s32 v2, $0x1FF  }
0x1e0: {  	v1 =	vsel vm0, $0x0, v1  }
0x1e1: {  	[tilespmem:s6+$0x0] =	vst v1  }
0x1e2: {  	v1 =	vld.idx.msk [tilespmem:v0+s5+$0x0], $0xffff;
	_ =	sdelay $0x5  }
0x1e3: {  	(erf) = vrcp.f32 v1  }
.Ltmp12:
0x1e4: {  	(pc) =	sbr.rel @p0 .LBB2_17-.Ltmp12, $2  }
0x1e5: {  	_ =	sdelay $0x2  }
0x1e6: {  	s8 =	sshra.s32 s7, $0x2;
	s7 =	sadd.s32 $0x80, s7;
	v1 =	vld [tilespmem:s6+$0x10]  }
0x1e7: {  	v2 =	vld [tilespmem:s8+$0xD00];
	_ =	sdelay $0x2  }
0x1e8: {  	v3 =	vpop (erf)  }
0x1e9: {  	v1 =	vmul.f32 v3, v1  }
0x1ea: {  	vm0 =	vgt.s32 v0, $0x1FF  }
0x1eb: {  	v0 =	vsel vm0, $0x0, v1  }
0x1ec: {  	[tilespmem:s6+$0x10] =	vst v0  }
0x1ed: {  	v0 =	vld.idx.msk [tilespmem:v2+s5+$0x0], $0xffff;
	_ =	sdelay $0x4  }
0x1ee: {  	(erf) = vrcp.f32 v0;
	_ =	sdelay $0x4  }
0x1ef: {  	v0 =	vld [tilespmem:s8+$0x0]  }
0x1f0: {  	v1 =	vld [tilespmem:s8+$0xD10];
	_ =	sdelay $0x2  }
0x1f1: {  	v3 =	vpop (erf)  }
0x1f2: {  	v0 =	vmul.f32 v3, v0  }
0x1f3: {  	vm13 =	vgt.s32 v2, $0x1FF  }
0x1f4: {  	v0 =	vsel vm13, $0x0, v0  }
0x1f5: {  	[tilespmem:s8+$0x0] =	vst v0  }
0x1f6: {  	v0 =	vld.idx.msk [tilespmem:v1+s5+$0x0], $0xffff;
	_ =	sdelay $0x4  }
0x1f7: {  	(erf) = vrcp.f32 v0;
	_ =	sdelay $0x4  }
0x1f8: {  	v0 =	vld [tilespmem:s8+$0x10];
	_ =	sdelay $0x3  }
0x1f9: {  	v2 =	vpop (erf)  }
0x1fa: {  	v0 =	vmul.f32 v2, v0  }
0x1fb: {  	vm14 =	vgt.s32 v1, $0x1FF  }
0x1fc: {  	p0 =	seq.s32 s0, $0xF;
	v0 =	vsel vm14, $0x0, v0  }
0x1fd: {  	s5 =	simm.s32 @p0 $0x0;
	[tilespmem:s8+$0x10] =	vst v0  }
0x1fe: {  	[hbm4b:s4+s5] =	stream.linear.scatter @p0 [tilespmem:s5], [sflag:$0x1], $0x50, $0x38;
	[tilespmem:$0xA120] =	vst v63  }
0x1ff: {  	s5 =	simm.s32 @p0 $0x1  }
0x200: {  	_ =	swait.ge @p0 [sflag:s5], $0x50  }
0x201: {  	[sflag:s5] =	ssyncset.done @p0 $0x0  }
0x202: {  	s31 =	sadd.s32 $0x0, s3;
	[sflag:s5] =	ssyncadd.s32 @p0 $0xFFFFFFB0;
	s5 =	simm.s32 @!p0 $0x0  }
0x203: {  	v0 =	vmov s31;
	[hbm4b:s4+s5] =	stream.linear.scatter @!p0 [tilespmem:s5], [sflag:$0x1], $0xD00, $0x38;
	[tilespmem:$0xA120] =	vst v63  }
0x204: {  	s4 =	simm.s32 @!p0 $0x1  }
0x205: {  	_ =	swait.ge @!p0 [sflag:s4], $0xD00  }
0x206: {  	[sflag:s4] =	ssyncset.done @!p0 $0x0  }
0x207: {  	[sflag:s4] =	ssyncadd.s32 @!p0 $0xFFFFF300;
	s4 =	simm.s32 $0x7D00  }
0x208: {  	v0 =	vld.idx.msk [tilespmem:v0+s4+$0x0], $0xffff;
	_ =	sdelay $0x4  }
0x209: {  	(erf) = vrcp.f32 v0;
	_ =	sdelay $0x1  }
0x20a: {  	s5 =	simm.s32 $0x7F90  }
0x20b: {  	v1 =	vld [tilespmem:s5+$0xFFFFFFF0]  }
0x20c: {  	v3 =	vld [tilespmem:s5+$0x70]  }
0x20d: {  	v4 =	vld [tilespmem:s5+$0x50]  }
0x20e: {  	v2 =	vld [tilespmem:s5+$0xFFFFFF80]  }
0x20f: {  	v5 =	vld [tilespmem:s5+$0xFFFFFF90]  }
0x210: {  	v6 =	vld [tilespmem:s5+$0xFFFFFFA0]  }
0x211: {  	v7 =	vld [tilespmem:s5+$0xFFFFFFB0];
	vm15 =	vgt.f32 v0, $0.0e+00;
	v0 =	vpop (erf)  }
0x212: {  	v8 =	vld [tilespmem:s5+$0xFFFFFFC0];
	v9 =	vnsel vm15, $0x0, v0  }
0x213: {  	v10 =	vld [tilespmem:s5+$0xFFFFFFE0];
	v2 =	vmul.f32 v9, v2  }
0x214: {  	v11 =	vld [tilespmem:s5+$0x30];
	v5 =	vmul.f32 v5, v9  }
0x215: {  	v0 =	vld [tilespmem:s5+$0xFFFFFFD0];
	v6 =	vmul.f32 v6, v9;
	[tilespmem:s5+$0xFFFFFF80] =	vst v2  }
0x216: {  	v7 =	vmul.f32 v7, v9;
	v2 =	vld [tilespmem:s5+$0x0];
	[tilespmem:s5+$0xFFFFFF90] =	vst v5  }
0x217: {  	v8 =	vmul.f32 v8, v9;
	v5 =	vld [tilespmem:s5+$0x10];
	[tilespmem:s5+$0xFFFFFFA0] =	vst v6  }
0x218: {  	v10 =	vmul.f32 v10, v9;
	v6 =	vld [tilespmem:s5+$0x20];
	[tilespmem:s5+$0xFFFFFFB0] =	vst v7  }
0x219: {  	v63 =	vld [tilespmem:s5+$0x60];
	v1 =	vmul.f32 v1, v9;
	[tilespmem:s5+$0xFFFFFFC0] =	vst v8  }
0x21a: {  	v7 =	vld [tilespmem:s5+$0x40];
	[tilespmem:s5+$0xFFFFFFE0] =	vst v10;
	v0 =	vmul.f32 v0, v9  }
0x21b: {  	[tilespmem:s5+$0xFFFFFFF0] =	vst v1;
	v2 =	vmul.f32 v2, v9  }
0x21c: {  	[tilespmem:s5+$0xFFFFFFD0] =	vst v0;
	v5 =	vmul.f32 v5, v9  }
0x21d: {  	v3 =	vmul.f32 v3, v9;
	v6 =	vmul.f32 v6, v9;
	[tilespmem:s5+$0x0] =	vst v2  }
0x21e: {  	v1 =	vmul.f32 v4, v9;
	v0 =	vmul.f32 v11, v9;
	[tilespmem:s5+$0x10] =	vst v5  }
0x21f: {  	s7 =	sadd.s32 $0x1, s3;
	s6 =	simm.s32 $0x2;
	v4 =	vmul.f32 v63, v9;
	v2 =	vmul.f32 v7, v9;
	[tilespmem:s5+$0x20] =	vst v6  }
.LBB2_19:
0x220: {  	p0 =	sne.s32 s6, $0x1F;
	v5 =	vmov s7;
	[tilespmem:s5+$0x30] =	vst v0  }
0x221: {  	[tilespmem:s5+$0x40] =	vst v2  }
0x222: {  	[tilespmem:s5+$0x50] =	vst v1  }
0x223: {  	[tilespmem:s5+$0x60] =	vst v4  }
0x224: {  	[tilespmem:s5+$0x70] =	vst v3  }
0x225: {  	v0 =	vld.idx.msk [tilespmem:v5+s4+$0x0], $0xffff;
	_ =	sdelay $0x2  }
0x226: {  	s5 =	sadd.s32 $0x100, s5  }
0x227: {  	v1 =	vld [tilespmem:s5+$0xFFFFFFF0]  }
0x228: {  	v3 =	vld [tilespmem:s5+$0x70]  }
0x229: {  	v4 =	vld [tilespmem:s5+$0x50];
	(erf) = vrcp.f32 v0  }
0x22a: {  	v2 =	vld [tilespmem:s5+$0x30]  }
0x22b: {  	v5 =	vld [tilespmem:s5+$0x10]  }
0x22c: {  	v6 =	vld [tilespmem:s5+$0xFFFFFFD0]  }
0x22d: {  	v7 =	vld [tilespmem:s5+$0xFFFFFFB0]  }
0x22e: {  	v8 =	vld [tilespmem:s5+$0xFFFFFF90]  }
0x22f: {  	v9 =	vld [tilespmem:s5+$0xFFFFFF80]  }
0x230: {  	v10 =	vld [tilespmem:s5+$0xFFFFFFA0]  }
0x231: {  	v11 =	vld [tilespmem:s5+$0xFFFFFFC0]  }
0x232: {  	vm0 =	vgt.f32 v0, $0.0e+00;
	v0 =	vld [tilespmem:s5+$0xFFFFFFE0];
	v12 =	vpop (erf)  }
0x233: {  	v12 =	vnsel vm0, $0x0, v12;
	v13 =	vld [tilespmem:s5+$0x0]  }
0x234: {  	v9 =	vmul.f32 v12, v9;
	v8 =	vmul.f32 v8, v12;
	v14 =	vld [tilespmem:s5+$0x20]  }
0x235: {  	v7 =	vmul.f32 v7, v12;
	v10 =	vmul.f32 v10, v12;
	v15 =	vld [tilespmem:s5+$0x40]  }
0x236: {  	v6 =	vmul.f32 v6, v12;
	[tilespmem:s5+$0xFFFFFF80] =	vst v9;
	v9 =	vmul.f32 v11, v12;
	v11 =	vld [tilespmem:s5+$0x60]  }
0x237: {  	v16 =	vmul.f32 v1, v12;
	[tilespmem:s5+$0xFFFFFF90] =	vst v8;
	v8 =	vmul.f32 v0, v12  }
0x238: {  	v5 =	vmul.f32 v5, v12;
	[tilespmem:s5+$0xFFFFFFA0] =	vst v10;
	v10 =	vmul.f32 v13, v12  }
0x239: {  	v0 =	vmul.f32 v2, v12;
	[tilespmem:s5+$0xFFFFFFB0] =	vst v7;
	v7 =	vmul.f32 v14, v12  }
0x23a: {  	v1 =	vmul.f32 v4, v12;
	[tilespmem:s5+$0xFFFFFFC0] =	vst v9;
	v2 =	vmul.f32 v15, v12  }
0x23b: {  	v3 =	vmul.f32 v3, v12;
	[tilespmem:s5+$0xFFFFFFD0] =	vst v6;
	v4 =	vmul.f32 v11, v12  }
.Ltmp13:
0x23c: {  	[tilespmem:s5+$0xFFFFFFE0] =	vst v8;
	(pc) =	sbr.rel @p0 .LBB2_19-.Ltmp13, $4  }
0x23d: {  	[tilespmem:s5+$0xFFFFFFF0] =	vst v16  }
0x23e: {  	[tilespmem:s5+$0x0] =	vst v10  }
0x23f: {  	[tilespmem:s5+$0x10] =	vst v5  }
0x240: {  	s7 =	sadd.s32 s6, s3;
	s6 =	sadd.s32 $0x1, s6;
	[tilespmem:s5+$0x20] =	vst v7  }
0x241: {  	v5 =	vmov s7;
	[tilespmem:s5+$0x30] =	vst v0  }
0x242: {  	[tilespmem:s5+$0x40] =	vst v2  }
0x243: {  	[tilespmem:s5+$0x50] =	vst v1  }
0x244: {  	[tilespmem:s5+$0x60] =	vst v4  }
0x245: {  	[tilespmem:s5+$0x70] =	vst v3  }
0x246: {  	v0 =	vld.idx.msk [tilespmem:v5+s4+$0x0], $0xffff;
	_ =	sdelay $0x4  }
0x247: {  	(erf) = vrcp.f32 v0;
	_ =	sdelay $0x4  }
0x248: {  	s3 =	sadd.s32 $0x100, s5  }
0x249: {  	v46 =	vld [tilespmem:s3+$0xFFFFFF80]  }
0x24a: {  	v47 =	vld [tilespmem:s3+$0xFFFFFF90]  }
0x24b: {  	v48 =	vld [tilespmem:s3+$0xFFFFFFA0]  }
0x24c: {  	v49 =	vld [tilespmem:s3+$0xFFFFFFB0];
	vm0 =	vgt.f32 v0, $0.0e+00;
	v50 =	vpop (erf)  }
0x24d: {  	v51 =	vld [tilespmem:s3+$0xFFFFFFC0];
	v0 =	vnsel vm0, $0x0, v50  }
0x24e: {  	v6 =	vld [tilespmem:s3+$0xFFFFFFD0];
	v1 =	vmul.f32 v0, v46  }
0x24f: {  	v7 =	vld [tilespmem:s3+$0xFFFFFFE0];
	v2 =	vmul.f32 v47, v0  }
0x250: {  	v8 =	vld [tilespmem:s3+$0xFFFFFFF0];
	v3 =	vmul.f32 v48, v0;
	[tilespmem:s3+$0xFFFFFF80] =	vst v1  }
0x251: {  	v55 =	vld [tilespmem:s3+$0x30];
	v4 =	vmul.f32 v49, v0;
	[tilespmem:s3+$0xFFFFFF90] =	vst v2  }
0x252: {  	v56 =	vld [tilespmem:s3+$0x40];
	v5 =	vmul.f32 v51, v0;
	[tilespmem:s3+$0xFFFFFFA0] =	vst v3  }
0x253: {  	v57 =	vld [tilespmem:s3+$0x50];
	v6 =	vmul.f32 v6, v0;
	[tilespmem:s3+$0xFFFFFFB0] =	vst v4  }
0x254: {  	v58 =	vld [tilespmem:s3+$0x60];
	v7 =	vmul.f32 v7, v0;
	[tilespmem:s3+$0xFFFFFFC0] =	vst v5  }
0x255: {  	v52 =	vld [tilespmem:s3+$0x0];
	v8 =	vmul.f32 v8, v0;
	[tilespmem:s3+$0xFFFFFFD0] =	vst v6  }
0x256: {  	v53 =	vld [tilespmem:s3+$0x10];
	v60 =	vmul.f32 v55, v0;
	[tilespmem:s3+$0xFFFFFFE0] =	vst v7  }
0x257: {  	v54 =	vld [tilespmem:s3+$0x20];
	v61 =	vmul.f32 v56, v0;
	[tilespmem:s3+$0xFFFFFFF0] =	vst v8  }
0x258: {  	v59 =	vld [tilespmem:s3+$0x70];
	v62 =	vmul.f32 v57, v0;
	[tilespmem:s3+$0x30] =	vst v60  }
0x259: {  	v63 =	vmul.f32 v58, v0;
	[tilespmem:s3+$0x40] =	vst v61  }
0x25a: {  	v1 =	vmul.f32 v52, v0;
	[tilespmem:s3+$0x50] =	vst v62  }
0x25b: {  	v2 =	vmul.f32 v53, v0;
	[tilespmem:s3+$0x60] =	vst v63  }
0x25c: {  	v3 =	vmul.f32 v54, v0;
	[tilespmem:s3+$0x0] =	vst v1  }
0x25d: {  	v0 =	vmul.f32 v59, v0;
	[tilespmem:s3+$0x10] =	vst v2  }
0x25e: {  	[tilespmem:s3+$0x20] =	vst v3  }
0x25f: {  	s29 =	simm.s32 $0x0;
	s30 =	simm.s32 $0x7F10;
	s31 =	simm.s32 $0x1;
	[tilespmem:s3+$0x70] =	vst v0  }
0x260: {  	[hbm4b:s2+s29] =	stream.linear.scatter [tilespmem:s30], [sflag:$0x1], $0x2000, $0x38;
	[tilespmem:$0xA120] =	vst v63  }
0x261: {  	_ =	swait.ge [sflag:s31], $0x2000  }
0x262: {  	[sflag:s31] =	ssyncset.done $0x0  }
0x263: {  	[sflag:s31] =	ssyncadd.s32 $0xFFFFE000  }
0x264: {  	_ =	sfence.sel $0x180000  }
0x265: {  	[bflag:$0x0] =	sbarrier.arrive $0xFFFF  }
0x266: {  	p0 =	sne.s32 s0, $0x0;
	_ =	strace $0x90000047  }
0x267: {  	s0 =	sadd.s32 @!p0 $0x100000, s1;
	[bflag:$0x2] =	sbarrier.arrive $0xFFFF  }
0x268: {  	[sflag:s0] =	ssyncadd.tile.s32 @!p0 $0x1;
	_ =	shalt  }
.LBB2_7:
.Ltmp14:
0x269: {  	(pc) =	sbr.rel .LBB2_10-.Ltmp14, $2  }
0x26a: {  	_ =	sdelay $0x2  }
0x26b: {  	s13 =	smov.u32 s6;
	p1 =	por $0x0, $0x0  }
.LBB2_11:
.Ltmp15:
0x26c: {  	(pc) =	sbr.rel .LBB2_14-.Ltmp15, $2  }
0x26d: {  	_ =	sdelay $0x2  }
0x26e: {  	s7 =	smov.u32 s6  }
.Lfunc_end2:
_tile_overlayer_lowered:
.L_overlay_start_2:
0x26f: {  	(tag) =	ssettag $0x2  }
0x270: {  	s0 =	rddreg [dreg:$0x0];
	s2 =	stileid.u32  }
0x271: {  	s1 =	rddreg [dreg:$0x1];
	p0 =	sne.s32 s2, $0x0  }
0x272: {  	s3 =	rddreg [dreg:$0x2];
	[bflag:$0x3] =	sbarrier.arrive $0xFFFF;
	s2 =	simm.s32 @!p0 $0x1C01  }
0x273: {  	[timem:s3], [sflag:s2] =	dma.local @!p0 [hbm:s0], s1  }
0x274: {  	s0 =	simm.s32 @!p0 $0x1  }
0x275: {  	_ =	swait.ge @!p0 [sflag:s0], s1  }
0x276: {  	s1 =	ssub.s32 @!p0 $0x0, s1;
	[sflag:s0] =	ssyncset.done @!p0 $0x0  }
0x277: {  	[sflag:s0] =	ssyncadd.s32 @!p0 s1  }
0x278: {  	[bflag:$0x3] =	sbarrier.arrive $0xFFFF  }
0x279: {  	_ =	shalt  }

</sc_bundles>
